<compile_context>
chip_gen: v7x
topology: tpu7x:2x2x1
jax: 0.10.2.dev20260603
libtpu: 0.0.44.dev20260713+nightly
codegen_flags: <defaults>
</compile_context>

<pallas_src>
import functools

import jax
import jax.numpy as jnp
from jax import lax
from jax.experimental import pallas as pl
from jax.experimental.pallas import tpu as pltpu
from jax.experimental.pallas import tpu_sc as plsc

_N = 10000
_D = 128
_E = 320000
_C = 32
_K1 = 17
_KP = 32

_NC = 2
_NS = 16
_NW = _NC * _NS
_CH = 128
_NCHUNK = _E // _CH
_T0 = 1250
_T1 = _NCHUNK - _T0
_RPS = 8 * (-(-(_N + _NS) // (8 * _NS)))
_NP = _RPS * _NS
_BN = 10000
_NBUF = 2
_NBI = 4


def _sc_scatter_body(x_hbm, eib_hbm, zeros_hbm, out_hbm,
                     src_v, dst_v, rows_v, acc_sh, sem_i, sem_r, sem_s):
    c = lax.axis_index("c")
    s = lax.axis_index("s")
    t = lax.select(c == 0, _T0, _T1)
    offs = lax.select(c == 0, 0, _T0)
    base = offs + lax.div(s * t, _NS)
    nk = offs + lax.div((s + 1) * t, _NS) - base

    def start_idx(j):
        b = lax.rem(j, _NBI)
        pltpu.async_copy(eib_hbm.at[0, base + j], src_v.at[b], sem_i)
        pltpu.async_copy(eib_hbm.at[1, base + j], dst_v.at[b], sem_i)

    def wait_idx(j):
        b = lax.rem(j, _NBI)
        pltpu.make_async_copy(eib_hbm.at[0, base + j], src_v.at[b], sem_i).wait()
        pltpu.make_async_copy(eib_hbm.at[1, base + j], dst_v.at[b], sem_i).wait()

    def start_rows(j):
        pltpu.async_copy(x_hbm.at[src_v.at[lax.rem(j, _NBI)]],
                         rows_v.at[lax.rem(j, _NBUF)], sem_r)

    def scatter_desc(j):
        return pltpu.make_async_copy(
            rows_v.at[lax.rem(j, _NBUF)],
            acc_sh.at[dst_v.at[lax.rem(j, _NBI)]], sem_s)

    start_idx(0)
    start_idx(1)
    pltpu.sync_copy(zeros_hbm, acc_sh.at[pl.ds(s * _RPS, _RPS)])
    wait_idx(0)
    start_rows(0)
    plsc.subcore_barrier()

    def chunk(j, carry):
        @pl.when(j + 2 < nk)
        def _():
            start_idx(j + 2)

        @pl.when(j + 1 < nk)
        def _():
            wait_idx(j + 1)

            @pl.when(j >= 1)
            def _():
                scatter_desc(j - 1).wait()

            start_rows(j + 1)

        b = lax.rem(j, _NBUF)
        bi = lax.rem(j, _NBI)
        pltpu.make_async_copy(x_hbm.at[src_v.at[bi]], rows_v.at[b],
                              sem_r).wait()
        pltpu.async_copy(rows_v.at[b], acc_sh.at[dst_v.at[bi]], sem_s,
                         add=True)
        return carry

    lax.fori_loop(0, nk, chunk, 0)
    scatter_desc(nk - 2).wait()
    scatter_desc(nk - 1).wait()
    plsc.subcore_barrier()

    pltpu.sync_copy(acc_sh.at[pl.ds(s * _RPS, _RPS)],
                    out_hbm.at[c, pl.ds(s * _RPS, _RPS)])


def _make_sc_scatter():
    return functools.partial(
        pl.kernel,
        mesh=plsc.VectorSubcoreMesh(core_axis_name="c", subcore_axis_name="s",
                                    num_cores=_NC, num_subcores=_NS),
        out_type=jax.ShapeDtypeStruct((_NC, _NP, _D), jnp.float32),
        scratch_types=[
            pltpu.VMEM((_NBI, _CH), jnp.int32),
            pltpu.VMEM((_NBI, _CH), jnp.int32),
            pltpu.VMEM((_NBUF, _CH, _D), jnp.float32),
            pltpu.VMEM_SHARED((_NP, _D), jnp.float32),
            pltpu.SemaphoreType.DMA,
            pltpu.SemaphoreType.DMA,
            pltpu.SemaphoreType.DMA,
        ],
        compiler_params=pltpu.CompilerParams(use_tc_tiling_on_sc=False),
    )(_sc_scatter_body)


def _tc_finish_kernel(part_ref, wrnn_ref, h0_ref, a_ref, wdec_ref,
                      scores_ref, topics_ref, wt_ref):
    @pl.when(pl.program_id(0) == 0)
    def _():
        a = a_ref[0]
        wrnn_t = wrnn_ref[...].T
        row = lax.broadcasted_iota(jnp.int32, (_C, _C), 0)

        def step(i, carry):
            h, H = carry
            h = jnp.dot(h, wrnn_t, preferred_element_type=jnp.float32)
            h = jnp.where(h >= 0, h, a * h)
            H = jnp.where(row == i, h, H)
            return h, H

        _, H = lax.fori_loop(0, _K1, step,
                             (h0_ref[...], jnp.zeros((_C, _C), jnp.float32)))
        wt_ref[...] = jnp.dot(H, wdec_ref[...].T,
                              preferred_element_type=jnp.float32)

    weights = wt_ref[...]
    xa = part_ref[0] + part_ref[1]
    s2 = jnp.dot(xa, weights.T, preferred_element_type=jnp.float32)
    col = lax.broadcasted_iota(jnp.int32, (_BN, _KP), 1)
    sm = jnp.where(col < _K1, s2, -jnp.inf)
    m = jnp.max(sm, axis=1, keepdims=True)
    t = jnp.min(jnp.where(sm >= m, col, _KP), axis=1)
    scores_ref[...] = s2.T[:_K1, :]
    topics_ref[...] = t


def kernel(x, edge_index, W_rnn, h0, a_prelu, W_dec):
    eib = edge_index.reshape(2, _NCHUNK, _CH)
    zeros = jnp.zeros((_RPS, _D), jnp.float32)

    part = _make_sc_scatter()(x, eib, zeros)

    scores, topics2d = pl.pallas_call(
        _tc_finish_kernel,
        grid=(_N // _BN,),
        in_specs=[
            pl.BlockSpec((_NC, _BN, _D), lambda i: (0, 0, 0)),
            pl.BlockSpec((_C, _C), lambda i: (0, 0)),
            pl.BlockSpec((1, _C), lambda i: (0, 0)),
            pl.BlockSpec(memory_space=pltpu.SMEM),
            pl.BlockSpec((_D, _C), lambda i: (0, 0)),
        ],
        out_specs=[pl.BlockSpec((_K1, _N), lambda i: (0, 0)),
                   pl.BlockSpec((_N,), lambda i: (0,))],
        out_shape=[jax.ShapeDtypeStruct((_K1, _N), jnp.float32),
                   jax.ShapeDtypeStruct((_N,), jnp.int32)],
        scratch_shapes=[pltpu.VMEM((_KP, _D), jnp.float32)],
    )(part, W_rnn, h0.reshape(1, _C), a_prelu.reshape(1), W_dec)

    return scores.T, topics2d

# --- scband reference (transcript-rebuilt; emitter-appended) ---
"""Pipeline reference for scband-atlas-17197049053518 (READ-ONLY COPY).

The authoritative reference and input builder live on the scoring server;
editing this copy changes nothing except your own understanding.
"""

import jax, jax.numpy as jnp
import numpy as np

N = 10000        # n_nodes
D = 128          # d_feat (X.shape[1])
E = 320000       # n_edges = N * doc_size(=32)
C = 32           # channels[-1]
N_TOPICS = 16    # fixed snapshot of the dynamic n_topics_ state


def _prelu(v, a):
    return jnp.where(v >= 0, v, a * v)


def setup_inputs(seed: int = 0) -> dict:
    key = jax.random.key(seed)
    ks = jax.random.split(key, 6)
    x = jax.random.normal(ks[0], (N, D), dtype=jnp.float32)
    # knn graph edges: row 0 = source node, row 1 = destination node
    edge_index = jax.random.randint(ks[1], (2, E), 0, N, dtype=jnp.int32)
    # learned parameters
    W_rnn = jax.random.normal(ks[2], (C, C), dtype=jnp.float32) * 0.1   # tw_rnn weight (no bias)
    h0 = jax.random.normal(ks[3], (C,), dtype=jnp.float32)              # tw_rnn initial hidden state
    a_prelu = jnp.asarray(0.25, dtype=jnp.float32)                      # PReLU slope of tw_rnn act_layer
    W_dec = jax.random.normal(ks[4], (D, C), dtype=jnp.float32) * 0.1   # decoder MLP (final_bias=False)
    return {"x": x, "edge_index": edge_index, "W_rnn": W_rnn, "h0": h0,
            "a_prelu": a_prelu, "W_dec": W_dec}


def reference(x, edge_index, W_rnn, h0, a_prelu, W_dec):
    # _predict path of ATLAS:
    # 1) X_ = SimpleConv(X, edges): sum-aggregate source features onto destinations
    src = edge_index[0]
    dst = edge_index[1]
    msgs = jnp.take(x, src, axis=0)                      # gather  [E, D]
    x_agg = jax.ops.segment_sum(msgs, dst, num_segments=N)  # scatter-add [N, D]
    # 2) weights = decoder(tw_rnn(n_layers=n_topics+1))
    def step(h, _):
        h_new = _prelu(h @ W_rnn.T, a_prelu)
        return h_new, h_new
    _, H = jax.lax.scan(step, h0, None, length=N_TOPICS + 1)  # [K+1, C]
    weights = H @ W_dec.T                                      # [K+1, D]
    # 3) topics = (X_ @ weights.T).argmax(-1)
    scores = x_agg @ weights.T                                 # [N, K+1]
    topics = jnp.argmax(scores, axis=-1)
    return scores, topics

if __name__ == "__main__":
    import jax
    _d = setup_inputs()
    print(jax.jit(kernel)(*tuple(_d.values())))

</pallas_src>

<mosaic_0001>
#map = affine_map<(d0, d1) -> (0, 0)>
#map1 = affine_map<(d0, d1) -> (0, 0, 0)>
module attributes {stable_mosaic.version = 14 : i64} {
  func.func @_sc_scatter_body(%arg0: i32, %arg1: i32, %arg2: memref<10000x128xf32, #tpu.memory_space<hbm>>, %arg3: memref<2x2500x128xi32, #tpu.memory_space<hbm>>, %arg4: memref<632x128xf32, #tpu.memory_space<hbm>>, %arg5: memref<2x10112x128xf32, #tpu.memory_space<hbm>>, %arg6: memref<4x128xi32, #tpu.memory_space<vmem>>, %arg7: memref<4x128xi32, #tpu.memory_space<vmem>>, %arg8: memref<2x128x128xf32, #tpu.memory_space<vmem>>, %arg9: memref<10112x128xf32, #tpu.memory_space<vmem_shared>>, %arg10: memref<!tpu.dma_semaphore, #tpu.memory_space<semaphore_mem>>, %arg11: memref<!tpu.dma_semaphore, #tpu.memory_space<semaphore_mem>>, %arg12: memref<!tpu.dma_semaphore, #tpu.memory_space<semaphore_mem>>) attributes {dimension_semantics = [#tpu.dimension_semantics<core_parallel>, #tpu.dimension_semantics<subcore_parallel>], iteration_bounds = array<i64: 2, 16>, scalar_prefetch = 0 : i64, scratch_operands = 7 : i64, tpu.core_type = #tpu.core_type<sc_vector_subcore>, window_params = [{transform_indices = #map}, {transform_indices = #map1}, {transform_indices = #map}, {transform_indices = #map1}]} {
    %eq3A = arith.constant 0 : i32
    %eq3A_0 = arith.cmpi eq, %arg0, %eq3A : i32
    %select_n3A = arith.constant 1250 : i32
    %select_n3A_1 = arith.constant 1250 : i32
    %select_n3A_2 = arith.select %eq3A_0, %select_n3A_1, %select_n3A : i32
    %eq3A_3 = arith.constant 0 : i32
    %eq3A_4 = arith.cmpi eq, %arg0, %eq3A_3 : i32
    %select_n3A_5 = arith.constant 1250 : i32
    %select_n3A_6 = arith.constant 0 : i32
    %select_n3A_7 = arith.select %eq3A_4, %select_n3A_6, %select_n3A_5 : i32
    %mul3A = arith.muli %arg1, %select_n3A_2 : i32
    %div3A = arith.constant 16 : i32
    %div3A_8 = arith.divsi %mul3A, %div3A : i32
    %add3A = arith.addi %select_n3A_7, %div3A_8 : i32
    %add3A_9 = arith.constant 1 : i32
    %add3A_10 = arith.addi %arg1, %add3A_9 : i32
    %mul3A_11 = arith.muli %add3A_10, %select_n3A_2 : i32
    %div3A_12 = arith.constant 16 : i32
    %div3A_13 = arith.divsi %mul3A_11, %div3A_12 : i32
    %add3A_14 = arith.addi %select_n3A_7, %div3A_13 : i32
    %sub3A = arith.subi %add3A_14, %add3A : i32
    %rem3A = arith.constant 0 : i32
    %rem3A_15 = arith.constant 4 : i32
    %rem3A_16 = arith.remsi %rem3A, %rem3A_15 : i32
    %add3A_17 = arith.constant 0 : i32
    %add3A_18 = arith.addi %add3A, %add3A_17 : i32
    %dma_start3A = arith.constant 0 : i32
    %dma_start3A_19 = arith.constant 0 : i32
    %dma_start3A_20 = tpu.memref_slice %arg6[%rem3A_16, %dma_start3A_19] : memref<4x128xi32, #tpu.memory_space<vmem>> -> memref<1x128xi32, #tpu.memory_space<vmem>>
    %dma_start3A_21 = tpu.memref_squeeze %dma_start3A_20 : memref<1x128xi32, #tpu.memory_space<vmem>> -> memref<128xi32, #tpu.memory_space<vmem>>
    %dma_start3A_22 = arith.constant 0 : i32
    %dma_start3A_23 = tpu.memref_slice %arg3[%dma_start3A, %add3A_18, %dma_start3A_22] : memref<2x2500x128xi32, #tpu.memory_space<hbm>> -> memref<1x1x128xi32, #tpu.memory_space<hbm>>
    %dma_start3A_24 = tpu.memref_squeeze %dma_start3A_23 : memref<1x1x128xi32, #tpu.memory_space<hbm>> -> memref<128xi32, #tpu.memory_space<hbm>>
    %dma_start3A_25 = arith.constant 0 : i32
    %dma_start3A_26 = tpu.memref_slice %arg6[%rem3A_16, %dma_start3A_25] : memref<4x128xi32, #tpu.memory_space<vmem>> -> memref<1x128xi32, #tpu.memory_space<vmem>>
    %dma_start3A_27 = tpu.memref_squeeze %dma_start3A_26 : memref<1x128xi32, #tpu.memory_space<vmem>> -> memref<128xi32, #tpu.memory_space<vmem>>
    %dma_start3A_28 = arith.constant 0 : i32
    %dma_start3A_29 = tpu.memref_slice %arg3[%dma_start3A, %add3A_18, %dma_start3A_28] : memref<2x2500x128xi32, #tpu.memory_space<hbm>> -> memref<1x1x128xi32, #tpu.memory_space<hbm>>
    %dma_start3A_30 = tpu.memref_squeeze %dma_start3A_29 : memref<1x1x128xi32, #tpu.memory_space<hbm>> -> memref<128xi32, #tpu.memory_space<hbm>>
    tpu.enqueue_dma source(%dma_start3A_30 : memref<128xi32, #tpu.memory_space<hbm>>) target(%dma_start3A_27 : memref<128xi32, #tpu.memory_space<vmem>>) target_semaphore(%arg10 : memref<!tpu.dma_semaphore, #tpu.memory_space<semaphore_mem>>)
    %add3A_31 = arith.constant 0 : i32
    %add3A_32 = arith.addi %add3A, %add3A_31 : i32
    %dma_start3A_33 = arith.constant 1 : i32
    %dma_start3A_34 = arith.constant 0 : i32
    %dma_start3A_35 = tpu.memref_slice %arg7[%rem3A_16, %dma_start3A_34] : memref<4x128xi32, #tpu.memory_space<vmem>> -> memref<1x128xi32, #tpu.memory_space<vmem>>
    %dma_start3A_36 = tpu.memref_squeeze %dma_start3A_35 : memref<1x128xi32, #tpu.memory_space<vmem>> -> memref<128xi32, #tpu.memory_space<vmem>>
    %dma_start3A_37 = arith.constant 0 : i32
    %dma_start3A_38 = tpu.memref_slice %arg3[%dma_start3A_33, %add3A_32, %dma_start3A_37] : memref<2x2500x128xi32, #tpu.memory_space<hbm>> -> memref<1x1x128xi32, #tpu.memory_space<hbm>>
    %dma_start3A_39 = tpu.memref_squeeze %dma_start3A_38 : memref<1x1x128xi32, #tpu.memory_space<hbm>> -> memref<128xi32, #tpu.memory_space<hbm>>
    %dma_start3A_40 = arith.constant 0 : i32
    %dma_start3A_41 = tpu.memref_slice %arg7[%rem3A_16, %dma_start3A_40] : memref<4x128xi32, #tpu.memory_space<vmem>> -> memref<1x128xi32, #tpu.memory_space<vmem>>
    %dma_start3A_42 = tpu.memref_squeeze %dma_start3A_41 : memref<1x128xi32, #tpu.memory_space<vmem>> -> memref<128xi32, #tpu.memory_space<vmem>>
    %dma_start3A_43 = arith.constant 0 : i32
    %dma_start3A_44 = tpu.memref_slice %arg3[%dma_start3A_33, %add3A_32, %dma_start3A_43] : memref<2x2500x128xi32, #tpu.memory_space<hbm>> -> memref<1x1x128xi32, #tpu.memory_space<hbm>>
    %dma_start3A_45 = tpu.memref_squeeze %dma_start3A_44 : memref<1x1x128xi32, #tpu.memory_space<hbm>> -> memref<128xi32, #tpu.memory_space<hbm>>
    tpu.enqueue_dma source(%dma_start3A_45 : memref<128xi32, #tpu.memory_space<hbm>>) target(%dma_start3A_42 : memref<128xi32, #tpu.memory_space<vmem>>) target_semaphore(%arg10 : memref<!tpu.dma_semaphore, #tpu.memory_space<semaphore_mem>>)
    %rem3A_46 = arith.constant 1 : i32
    %rem3A_47 = arith.constant 4 : i32
    %rem3A_48 = arith.remsi %rem3A_46, %rem3A_47 : i32
    %add3A_49 = arith.constant 1 : i32
    %add3A_50 = arith.addi %add3A, %add3A_49 : i32
    %dma_start3A_51 = arith.constant 0 : i32
    %dma_start3A_52 = arith.constant 0 : i32
    %dma_start3A_53 = tpu.memref_slice %arg6[%rem3A_48, %dma_start3A_52] : memref<4x128xi32, #tpu.memory_space<vmem>> -> memref<1x128xi32, #tpu.memory_space<vmem>>
    %dma_start3A_54 = tpu.memref_squeeze %dma_start3A_53 : memref<1x128xi32, #tpu.memory_space<vmem>> -> memref<128xi32, #tpu.memory_space<vmem>>
    %dma_start3A_55 = arith.constant 0 : i32
    %dma_start3A_56 = tpu.memref_slice %arg3[%dma_start3A_51, %add3A_50, %dma_start3A_55] : memref<2x2500x128xi32, #tpu.memory_space<hbm>> -> memref<1x1x128xi32, #tpu.memory_space<hbm>>
    %dma_start3A_57 = tpu.memref_squeeze %dma_start3A_56 : memref<1x1x128xi32, #tpu.memory_space<hbm>> -> memref<128xi32, #tpu.memory_space<hbm>>
    %dma_start3A_58 = arith.constant 0 : i32
    %dma_start3A_59 = tpu.memref_slice %arg6[%rem3A_48, %dma_start3A_58] : memref<4x128xi32, #tpu.memory_space<vmem>> -> memref<1x128xi32, #tpu.memory_space<vmem>>
    %dma_start3A_60 = tpu.memref_squeeze %dma_start3A_59 : memref<1x128xi32, #tpu.memory_space<vmem>> -> memref<128xi32, #tpu.memory_space<vmem>>
    %dma_start3A_61 = arith.constant 0 : i32
    %dma_start3A_62 = tpu.memref_slice %arg3[%dma_start3A_51, %add3A_50, %dma_start3A_61] : memref<2x2500x128xi32, #tpu.memory_space<hbm>> -> memref<1x1x128xi32, #tpu.memory_space<hbm>>
    %dma_start3A_63 = tpu.memref_squeeze %dma_start3A_62 : memref<1x1x128xi32, #tpu.memory_space<hbm>> -> memref<128xi32, #tpu.memory_space<hbm>>
    tpu.enqueue_dma source(%dma_start3A_63 : memref<128xi32, #tpu.memory_space<hbm>>) target(%dma_start3A_60 : memref<128xi32, #tpu.memory_space<vmem>>) target_semaphore(%arg10 : memref<!tpu.dma_semaphore, #tpu.memory_space<semaphore_mem>>)
    %add3A_64 = arith.constant 1 : i32
    %add3A_65 = arith.addi %add3A, %add3A_64 : i32
    %dma_start3A_66 = arith.constant 1 : i32
    %dma_start3A_67 = arith.constant 0 : i32
    %dma_start3A_68 = tpu.memref_slice %arg7[%rem3A_48, %dma_start3A_67] : memref<4x128xi32, #tpu.memory_space<vmem>> -> memref<1x128xi32, #tpu.memory_space<vmem>>
    %dma_start3A_69 = tpu.memref_squeeze %dma_start3A_68 : memref<1x128xi32, #tpu.memory_space<vmem>> -> memref<128xi32, #tpu.memory_space<vmem>>
    %dma_start3A_70 = arith.constant 0 : i32
    %dma_start3A_71 = tpu.memref_slice %arg3[%dma_start3A_66, %add3A_65, %dma_start3A_70] : memref<2x2500x128xi32, #tpu.memory_space<hbm>> -> memref<1x1x128xi32, #tpu.memory_space<hbm>>
    %dma_start3A_72 = tpu.memref_squeeze %dma_start3A_71 : memref<1x1x128xi32, #tpu.memory_space<hbm>> -> memref<128xi32, #tpu.memory_space<hbm>>
    %dma_start3A_73 = arith.constant 0 : i32
    %dma_start3A_74 = tpu.memref_slice %arg7[%rem3A_48, %dma_start3A_73] : memref<4x128xi32, #tpu.memory_space<vmem>> -> memref<1x128xi32, #tpu.memory_space<vmem>>
    %dma_start3A_75 = tpu.memref_squeeze %dma_start3A_74 : memref<1x128xi32, #tpu.memory_space<vmem>> -> memref<128xi32, #tpu.memory_space<vmem>>
    %dma_start3A_76 = arith.constant 0 : i32
    %dma_start3A_77 = tpu.memref_slice %arg3[%dma_start3A_66, %add3A_65, %dma_start3A_76] : memref<2x2500x128xi32, #tpu.memory_space<hbm>> -> memref<1x1x128xi32, #tpu.memory_space<hbm>>
    %dma_start3A_78 = tpu.memref_squeeze %dma_start3A_77 : memref<1x1x128xi32, #tpu.memory_space<hbm>> -> memref<128xi32, #tpu.memory_space<hbm>>
    tpu.enqueue_dma source(%dma_start3A_78 : memref<128xi32, #tpu.memory_space<hbm>>) target(%dma_start3A_75 : memref<128xi32, #tpu.memory_space<vmem>>) target_semaphore(%arg10 : memref<!tpu.dma_semaphore, #tpu.memory_space<semaphore_mem>>)
    %mul3A_79 = arith.constant 632 : i32
    %mul3A_80 = arith.muli %arg1, %mul3A_79 : i32
    "tpu.region"() ({
      %run_scoped3A = tpu.sem_alloc : memref<!tpu.dma_semaphore, #tpu.memory_space<semaphore_mem>>
      %dma_start3A_175 = arith.constant 0 : i32
      %dma_start3A_176 = tpu.memref_slice %arg9[%mul3A_80, %dma_start3A_175] : memref<10112x128xf32, #tpu.memory_space<vmem_shared>> -> memref<632x128xf32, #tpu.memory_space<vmem_shared>>
      tpu.enqueue_dma source(%arg4 : memref<632x128xf32, #tpu.memory_space<hbm>>) target(%dma_start3A_176 : memref<632x128xf32, #tpu.memory_space<vmem_shared>>) target_semaphore(%run_scoped3A : memref<!tpu.dma_semaphore, #tpu.memory_space<semaphore_mem>>)
      %dma_wait3A_177 = arith.constant 0 : i32
      %dma_wait3A_178 = tpu.memref_slice %arg9[%mul3A_80, %dma_wait3A_177] : memref<10112x128xf32, #tpu.memory_space<vmem_shared>> -> memref<632x128xf32, #tpu.memory_space<vmem_shared>>
      tpu.wait_dma2 semaphore(%run_scoped3A : memref<!tpu.dma_semaphore, #tpu.memory_space<semaphore_mem>>) src(%arg4 : memref<632x128xf32, #tpu.memory_space<hbm>>) dst(%dma_wait3A_178 : memref<632x128xf32, #tpu.memory_space<vmem_shared>>)
      tpu.yield
    }) : () -> ()
    %rem3A_81 = arith.constant 0 : i32
    %rem3A_82 = arith.constant 4 : i32
    %rem3A_83 = arith.remsi %rem3A_81, %rem3A_82 : i32
    %add3A_84 = arith.constant 0 : i32
    %add3A_85 = arith.addi %add3A, %add3A_84 : i32
    %dma_wait3A = arith.constant 0 : i32
    %dma_wait3A_86 = arith.constant 0 : i32
    %dma_wait3A_87 = tpu.memref_slice %arg6[%rem3A_83, %dma_wait3A_86] : memref<4x128xi32, #tpu.memory_space<vmem>> -> memref<1x128xi32, #tpu.memory_space<vmem>>
    %dma_wait3A_88 = tpu.memref_squeeze %dma_wait3A_87 : memref<1x128xi32, #tpu.memory_space<vmem>> -> memref<128xi32, #tpu.memory_space<vmem>>
    %dma_wait3A_89 = arith.constant 0 : i32
    %dma_wait3A_90 = tpu.memref_slice %arg3[%dma_wait3A, %add3A_85, %dma_wait3A_89] : memref<2x2500x128xi32, #tpu.memory_space<hbm>> -> memref<1x1x128xi32, #tpu.memory_space<hbm>>
    %dma_wait3A_91 = tpu.memref_squeeze %dma_wait3A_90 : memref<1x1x128xi32, #tpu.memory_space<hbm>> -> memref<128xi32, #tpu.memory_space<hbm>>
    %dma_wait3A_92 = arith.constant 0 : i32
    %dma_wait3A_93 = tpu.memref_slice %arg6[%rem3A_83, %dma_wait3A_92] : memref<4x128xi32, #tpu.memory_space<vmem>> -> memref<1x128xi32, #tpu.memory_space<vmem>>
    %dma_wait3A_94 = tpu.memref_squeeze %dma_wait3A_93 : memref<1x128xi32, #tpu.memory_space<vmem>> -> memref<128xi32, #tpu.memory_space<vmem>>
    %dma_wait3A_95 = arith.constant 0 : i32
    %dma_wait3A_96 = tpu.memref_slice %arg3[%dma_wait3A, %add3A_85, %dma_wait3A_95] : memref<2x2500x128xi32, #tpu.memory_space<hbm>> -> memref<1x1x128xi32, #tpu.memory_space<hbm>>
    %dma_wait3A_97 = tpu.memref_squeeze %dma_wait3A_96 : memref<1x1x128xi32, #tpu.memory_space<hbm>> -> memref<128xi32, #tpu.memory_space<hbm>>
    tpu.wait_dma2 semaphore(%arg10 : memref<!tpu.dma_semaphore, #tpu.memory_space<semaphore_mem>>) src(%dma_wait3A_97 : memref<128xi32, #tpu.memory_space<hbm>>) dst(%dma_wait3A_94 : memref<128xi32, #tpu.memory_space<vmem>>)
    %add3A_98 = arith.constant 0 : i32
    %add3A_99 = arith.addi %add3A, %add3A_98 : i32
    %dma_wait3A_100 = arith.constant 1 : i32
    %dma_wait3A_101 = arith.constant 0 : i32
    %dma_wait3A_102 = tpu.memref_slice %arg7[%rem3A_83, %dma_wait3A_101] : memref<4x128xi32, #tpu.memory_space<vmem>> -> memref<1x128xi32, #tpu.memory_space<vmem>>
    %dma_wait3A_103 = tpu.memref_squeeze %dma_wait3A_102 : memref<1x128xi32, #tpu.memory_space<vmem>> -> memref<128xi32, #tpu.memory_space<vmem>>
    %dma_wait3A_104 = arith.constant 0 : i32
    %dma_wait3A_105 = tpu.memref_slice %arg3[%dma_wait3A_100, %add3A_99, %dma_wait3A_104] : memref<2x2500x128xi32, #tpu.memory_space<hbm>> -> memref<1x1x128xi32, #tpu.memory_space<hbm>>
    %dma_wait3A_106 = tpu.memref_squeeze %dma_wait3A_105 : memref<1x1x128xi32, #tpu.memory_space<hbm>> -> memref<128xi32, #tpu.memory_space<hbm>>
    %dma_wait3A_107 = arith.constant 0 : i32
    %dma_wait3A_108 = tpu.memref_slice %arg7[%rem3A_83, %dma_wait3A_107] : memref<4x128xi32, #tpu.memory_space<vmem>> -> memref<1x128xi32, #tpu.memory_space<vmem>>
    %dma_wait3A_109 = tpu.memref_squeeze %dma_wait3A_108 : memref<1x128xi32, #tpu.memory_space<vmem>> -> memref<128xi32, #tpu.memory_space<vmem>>
    %dma_wait3A_110 = arith.constant 0 : i32
    %dma_wait3A_111 = tpu.memref_slice %arg3[%dma_wait3A_100, %add3A_99, %dma_wait3A_110] : memref<2x2500x128xi32, #tpu.memory_space<hbm>> -> memref<1x1x128xi32, #tpu.memory_space<hbm>>
    %dma_wait3A_112 = tpu.memref_squeeze %dma_wait3A_111 : memref<1x1x128xi32, #tpu.memory_space<hbm>> -> memref<128xi32, #tpu.memory_space<hbm>>
    tpu.wait_dma2 semaphore(%arg10 : memref<!tpu.dma_semaphore, #tpu.memory_space<semaphore_mem>>) src(%dma_wait3A_112 : memref<128xi32, #tpu.memory_space<hbm>>) dst(%dma_wait3A_109 : memref<128xi32, #tpu.memory_space<vmem>>)
    %rem3A_113 = arith.constant 0 : i32
    %rem3A_114 = arith.constant 4 : i32
    %rem3A_115 = arith.remsi %rem3A_113, %rem3A_114 : i32
    %rem3A_116 = arith.constant 0 : i32
    %rem3A_117 = arith.constant 2 : i32
    %rem3A_118 = arith.remsi %rem3A_116, %rem3A_117 : i32
    %dma_start3A_119 = arith.constant 0 : i32
    %dma_start3A_120 = arith.constant 0 : i32
    %dma_start3A_121 = tpu.memref_slice %arg8[%rem3A_118, %dma_start3A_119, %dma_start3A_120] : memref<2x128x128xf32, #tpu.memory_space<vmem>> -> memref<1x128x128xf32, #tpu.memory_space<vmem>>
    %dma_start3A_122 = tpu.memref_squeeze %dma_start3A_121 : memref<1x128x128xf32, #tpu.memory_space<vmem>> -> memref<128x128xf32, #tpu.memory_space<vmem>>
    %dma_start3A_123 = arith.constant 0 : i32
    %dma_start3A_124 = tpu.memref_slice %arg6[%rem3A_115, %dma_start3A_123] : memref<4x128xi32, #tpu.memory_space<vmem>> -> memref<1x128xi32, #tpu.memory_space<vmem>>
    %dma_start3A_125 = tpu.memref_squeeze %dma_start3A_124 : memref<1x128xi32, #tpu.memory_space<vmem>> -> memref<128xi32, #tpu.memory_space<vmem>>
    %dma_start3A_126 = arith.constant 0 : i32
    %dma_start3A_127 = arith.constant 0 : i32
    %dma_start3A_128 = tpu.memref_slice %arg2[%dma_start3A_126, %dma_start3A_127] : memref<10000x128xf32, #tpu.memory_space<hbm>> -> memref<10000x128xf32, #tpu.memory_space<hbm>>
    tpu.enqueue_indirect_dma source(%dma_start3A_128 : memref<10000x128xf32, #tpu.memory_space<hbm>>) target(%dma_start3A_122 : memref<128x128xf32, #tpu.memory_space<vmem>>) offsets(%dma_start3A_125 : memref<128xi32, #tpu.memory_space<vmem>>) semaphore(%arg11 : memref<!tpu.dma_semaphore, #tpu.memory_space<semaphore_mem>>)
    %barrier3A = arith.constant 0 : index
    tpu.barrier barrier_id(%barrier3A)
    %while3A = arith.constant 0 : i32
    %while3A_129 = arith.constant 0 : i32
    %while3A_130 = arith.subi %sub3A, %while3A_129 : i32
    %while3A_131 = arith.addi %while3A_129, %while3A_130 : i32
    %while3A_132 = arith.constant 1 : i32
    %while3A_133 = arith.divsi %while3A_130, %while3A_132 : i32
    %while3A_134 = arith.muli %while3A_133, %while3A_132 : i32
    %while3A_135 = arith.addi %while3A_129, %while3A_134 : i32
    %while3A_136 = arith.constant 1 : i32
    scf.for %while3A_175 = %while3A_129 to %while3A_135 step %while3A_136  : i32 {
      %add3A_176 = arith.constant 2 : i32
      %add3A_177 = arith.addi %while3A_175, %add3A_176 : i32
      %lt3A = arith.cmpi slt, %add3A_177, %sub3A : i32
      %convert_element_type3A = arith.extui %lt3A : i1 to i32
      %cond3A = arith.constant 0 : i32
      %cond3A_178 = arith.cmpi ne, %convert_element_type3A, %cond3A : i32
      scf.if %cond3A_178 {
        %add3A_209 = arith.constant 2 : i32
        %add3A_210 = arith.addi %while3A_175, %add3A_209 : i32
        %rem3A_211 = arith.constant 4 : i32
        %rem3A_212 = arith.remsi %add3A_210, %rem3A_211 : i32
        %add3A_213 = arith.addi %add3A, %add3A_210 : i32
        %dma_start3A_214 = arith.constant 0 : i32
        %dma_start3A_215 = arith.constant 0 : i32
        %dma_start3A_216 = tpu.memref_slice %arg6[%rem3A_212, %dma_start3A_215] : memref<4x128xi32, #tpu.memory_space<vmem>> -> memref<1x128xi32, #tpu.memory_space<vmem>>
        %dma_start3A_217 = tpu.memref_squeeze %dma_start3A_216 : memref<1x128xi32, #tpu.memory_space<vmem>> -> memref<128xi32, #tpu.memory_space<vmem>>
        %dma_start3A_218 = arith.constant 0 : i32
        %dma_start3A_219 = tpu.memref_slice %arg3[%dma_start3A_214, %add3A_213, %dma_start3A_218] : memref<2x2500x128xi32, #tpu.memory_space<hbm>> -> memref<1x1x128xi32, #tpu.memory_space<hbm>>
        %dma_start3A_220 = tpu.memref_squeeze %dma_start3A_219 : memref<1x1x128xi32, #tpu.memory_space<hbm>> -> memref<128xi32, #tpu.memory_space<hbm>>
        %dma_start3A_221 = arith.constant 0 : i32
        %dma_start3A_222 = tpu.memref_slice %arg6[%rem3A_212, %dma_start3A_221] : memref<4x128xi32, #tpu.memory_space<vmem>> -> memref<1x128xi32, #tpu.memory_space<vmem>>
        %dma_start3A_223 = tpu.memref_squeeze %dma_start3A_222 : memref<1x128xi32, #tpu.memory_space<vmem>> -> memref<128xi32, #tpu.memory_space<vmem>>
        %dma_start3A_224 = arith.constant 0 : i32
        %dma_start3A_225 = tpu.memref_slice %arg3[%dma_start3A_214, %add3A_213, %dma_start3A_224] : memref<2x2500x128xi32, #tpu.memory_space<hbm>> -> memref<1x1x128xi32, #tpu.memory_space<hbm>>
        %dma_start3A_226 = tpu.memref_squeeze %dma_start3A_225 : memref<1x1x128xi32, #tpu.memory_space<hbm>> -> memref<128xi32, #tpu.memory_space<hbm>>
        tpu.enqueue_dma source(%dma_start3A_226 : memref<128xi32, #tpu.memory_space<hbm>>) target(%dma_start3A_223 : memref<128xi32, #tpu.memory_space<vmem>>) target_semaphore(%arg10 : memref<!tpu.dma_semaphore, #tpu.memory_space<semaphore_mem>>)
        %add3A_227 = arith.addi %add3A, %add3A_210 : i32
        %dma_start3A_228 = arith.constant 1 : i32
        %dma_start3A_229 = arith.constant 0 : i32
        %dma_start3A_230 = tpu.memref_slice %arg7[%rem3A_212, %dma_start3A_229] : memref<4x128xi32, #tpu.memory_space<vmem>> -> memref<1x128xi32, #tpu.memory_space<vmem>>
        %dma_start3A_231 = tpu.memref_squeeze %dma_start3A_230 : memref<1x128xi32, #tpu.memory_space<vmem>> -> memref<128xi32, #tpu.memory_space<vmem>>
        %dma_start3A_232 = arith.constant 0 : i32
        %dma_start3A_233 = tpu.memref_slice %arg3[%dma_start3A_228, %add3A_227, %dma_start3A_232] : memref<2x2500x128xi32, #tpu.memory_space<hbm>> -> memref<1x1x128xi32, #tpu.memory_space<hbm>>
        %dma_start3A_234 = tpu.memref_squeeze %dma_start3A_233 : memref<1x1x128xi32, #tpu.memory_space<hbm>> -> memref<128xi32, #tpu.memory_space<hbm>>
        %dma_start3A_235 = arith.constant 0 : i32
        %dma_start3A_236 = tpu.memref_slice %arg7[%rem3A_212, %dma_start3A_235] : memref<4x128xi32, #tpu.memory_space<vmem>> -> memref<1x128xi32, #tpu.memory_space<vmem>>
        %dma_start3A_237 = tpu.memref_squeeze %dma_start3A_236 : memref<1x128xi32, #tpu.memory_space<vmem>> -> memref<128xi32, #tpu.memory_space<vmem>>
        %dma_start3A_238 = arith.constant 0 : i32
        %dma_start3A_239 = tpu.memref_slice %arg3[%dma_start3A_228, %add3A_227, %dma_start3A_238] : memref<2x2500x128xi32, #tpu.memory_space<hbm>> -> memref<1x1x128xi32, #tpu.memory_space<hbm>>
        %dma_start3A_240 = tpu.memref_squeeze %dma_start3A_239 : memref<1x1x128xi32, #tpu.memory_space<hbm>> -> memref<128xi32, #tpu.memory_space<hbm>>
        tpu.enqueue_dma source(%dma_start3A_240 : memref<128xi32, #tpu.memory_space<hbm>>) target(%dma_start3A_237 : memref<128xi32, #tpu.memory_space<vmem>>) target_semaphore(%arg10 : memref<!tpu.dma_semaphore, #tpu.memory_space<semaphore_mem>>)
      } else {
      }
      %add3A_179 = arith.constant 1 : i32
      %add3A_180 = arith.addi %while3A_175, %add3A_179 : i32
      %lt3A_181 = arith.cmpi slt, %add3A_180, %sub3A : i32
      %convert_element_type3A_182 = arith.extui %lt3A_181 : i1 to i32
      %cond3A_183 = arith.constant 0 : i32
      %cond3A_184 = arith.cmpi ne, %convert_element_type3A_182, %cond3A_183 : i32
      scf.if %cond3A_184 {
        %add3A_209 = arith.constant 1 : i32
        %add3A_210 = arith.addi %while3A_175, %add3A_209 : i32
        %rem3A_211 = arith.constant 4 : i32
        %rem3A_212 = arith.remsi %add3A_210, %rem3A_211 : i32
        %add3A_213 = arith.addi %add3A, %add3A_210 : i32
        %dma_wait3A_214 = arith.constant 0 : i32
        %dma_wait3A_215 = arith.constant 0 : i32
        %dma_wait3A_216 = tpu.memref_slice %arg6[%rem3A_212, %dma_wait3A_215] : memref<4x128xi32, #tpu.memory_space<vmem>> -> memref<1x128xi32, #tpu.memory_space<vmem>>
        %dma_wait3A_217 = tpu.memref_squeeze %dma_wait3A_216 : memref<1x128xi32, #tpu.memory_space<vmem>> -> memref<128xi32, #tpu.memory_space<vmem>>
        %dma_wait3A_218 = arith.constant 0 : i32
        %dma_wait3A_219 = tpu.memref_slice %arg3[%dma_wait3A_214, %add3A_213, %dma_wait3A_218] : memref<2x2500x128xi32, #tpu.memory_space<hbm>> -> memref<1x1x128xi32, #tpu.memory_space<hbm>>
        %dma_wait3A_220 = tpu.memref_squeeze %dma_wait3A_219 : memref<1x1x128xi32, #tpu.memory_space<hbm>> -> memref<128xi32, #tpu.memory_space<hbm>>
        %dma_wait3A_221 = arith.constant 0 : i32
        %dma_wait3A_222 = tpu.memref_slice %arg6[%rem3A_212, %dma_wait3A_221] : memref<4x128xi32, #tpu.memory_space<vmem>> -> memref<1x128xi32, #tpu.memory_space<vmem>>
        %dma_wait3A_223 = tpu.memref_squeeze %dma_wait3A_222 : memref<1x128xi32, #tpu.memory_space<vmem>> -> memref<128xi32, #tpu.memory_space<vmem>>
        %dma_wait3A_224 = arith.constant 0 : i32
        %dma_wait3A_225 = tpu.memref_slice %arg3[%dma_wait3A_214, %add3A_213, %dma_wait3A_224] : memref<2x2500x128xi32, #tpu.memory_space<hbm>> -> memref<1x1x128xi32, #tpu.memory_space<hbm>>
        %dma_wait3A_226 = tpu.memref_squeeze %dma_wait3A_225 : memref<1x1x128xi32, #tpu.memory_space<hbm>> -> memref<128xi32, #tpu.memory_space<hbm>>
        tpu.wait_dma2 semaphore(%arg10 : memref<!tpu.dma_semaphore, #tpu.memory_space<semaphore_mem>>) src(%dma_wait3A_226 : memref<128xi32, #tpu.memory_space<hbm>>) dst(%dma_wait3A_223 : memref<128xi32, #tpu.memory_space<vmem>>)
        %add3A_227 = arith.addi %add3A, %add3A_210 : i32
        %dma_wait3A_228 = arith.constant 1 : i32
        %dma_wait3A_229 = arith.constant 0 : i32
        %dma_wait3A_230 = tpu.memref_slice %arg7[%rem3A_212, %dma_wait3A_229] : memref<4x128xi32, #tpu.memory_space<vmem>> -> memref<1x128xi32, #tpu.memory_space<vmem>>
        %dma_wait3A_231 = tpu.memref_squeeze %dma_wait3A_230 : memref<1x128xi32, #tpu.memory_space<vmem>> -> memref<128xi32, #tpu.memory_space<vmem>>
        %dma_wait3A_232 = arith.constant 0 : i32
        %dma_wait3A_233 = tpu.memref_slice %arg3[%dma_wait3A_228, %add3A_227, %dma_wait3A_232] : memref<2x2500x128xi32, #tpu.memory_space<hbm>> -> memref<1x1x128xi32, #tpu.memory_space<hbm>>
        %dma_wait3A_234 = tpu.memref_squeeze %dma_wait3A_233 : memref<1x1x128xi32, #tpu.memory_space<hbm>> -> memref<128xi32, #tpu.memory_space<hbm>>
        %dma_wait3A_235 = arith.constant 0 : i32
        %dma_wait3A_236 = tpu.memref_slice %arg7[%rem3A_212, %dma_wait3A_235] : memref<4x128xi32, #tpu.memory_space<vmem>> -> memref<1x128xi32, #tpu.memory_space<vmem>>
        %dma_wait3A_237 = tpu.memref_squeeze %dma_wait3A_236 : memref<1x128xi32, #tpu.memory_space<vmem>> -> memref<128xi32, #tpu.memory_space<vmem>>
        %dma_wait3A_238 = arith.constant 0 : i32
        %dma_wait3A_239 = tpu.memref_slice %arg3[%dma_wait3A_228, %add3A_227, %dma_wait3A_238] : memref<2x2500x128xi32, #tpu.memory_space<hbm>> -> memref<1x1x128xi32, #tpu.memory_space<hbm>>
        %dma_wait3A_240 = tpu.memref_squeeze %dma_wait3A_239 : memref<1x1x128xi32, #tpu.memory_space<hbm>> -> memref<128xi32, #tpu.memory_space<hbm>>
        tpu.wait_dma2 semaphore(%arg10 : memref<!tpu.dma_semaphore, #tpu.memory_space<semaphore_mem>>) src(%dma_wait3A_240 : memref<128xi32, #tpu.memory_space<hbm>>) dst(%dma_wait3A_237 : memref<128xi32, #tpu.memory_space<vmem>>)
        %ge3A = arith.constant 1 : i32
        %ge3A_241 = arith.cmpi sge, %while3A_175, %ge3A : i32
        %convert_element_type3A_242 = arith.extui %ge3A_241 : i1 to i32
        %cond3A_243 = arith.constant 0 : i32
        %cond3A_244 = arith.cmpi ne, %convert_element_type3A_242, %cond3A_243 : i32
        scf.if %cond3A_244 {
          %sub3A_261 = arith.constant 1 : i32
          %sub3A_262 = arith.subi %while3A_175, %sub3A_261 : i32
          %rem3A_263 = arith.constant 2 : i32
          %rem3A_264 = arith.remsi %sub3A_262, %rem3A_263 : i32
          %rem3A_265 = arith.constant 4 : i32
          %rem3A_266 = arith.remsi %sub3A_262, %rem3A_265 : i32
          %dma_wait3A_267 = arith.constant 0 : i32
          %dma_wait3A_268 = arith.constant 0 : i32
          %dma_wait3A_269 = tpu.memref_slice %arg8[%rem3A_264, %dma_wait3A_267, %dma_wait3A_268] : memref<2x128x128xf32, #tpu.memory_space<vmem>> -> memref<1x128x128xf32, #tpu.memory_space<vmem>>
          %dma_wait3A_270 = tpu.memref_squeeze %dma_wait3A_269 : memref<1x128x128xf32, #tpu.memory_space<vmem>> -> memref<128x128xf32, #tpu.memory_space<vmem>>
          %dma_wait3A_271 = arith.constant 0 : i32
          %dma_wait3A_272 = tpu.memref_slice %arg7[%rem3A_266, %dma_wait3A_271] : memref<4x128xi32, #tpu.memory_space<vmem>> -> memref<1x128xi32, #tpu.memory_space<vmem>>
          %dma_wait3A_273 = tpu.memref_squeeze %dma_wait3A_272 : memref<1x128xi32, #tpu.memory_space<vmem>> -> memref<128xi32, #tpu.memory_space<vmem>>
          %dma_wait3A_274 = arith.constant 0 : i32
          %dma_wait3A_275 = arith.constant 0 : i32
          %dma_wait3A_276 = tpu.memref_slice %arg9[%dma_wait3A_274, %dma_wait3A_275] : memref<10112x128xf32, #tpu.memory_space<vmem_shared>> -> memref<10112x128xf32, #tpu.memory_space<vmem_shared>>
          tpu.wait_indirect_dma semaphore(%arg12 : memref<!tpu.dma_semaphore, #tpu.memory_space<semaphore_mem>>) src(%dma_wait3A_270 : memref<128x128xf32, #tpu.memory_space<vmem>>) dst(%dma_wait3A_276 : memref<10112x128xf32, #tpu.memory_space<vmem_shared>>)
        } else {
        }
        %add3A_245 = arith.constant 1 : i32
        %add3A_246 = arith.addi %while3A_175, %add3A_245 : i32
        %rem3A_247 = arith.constant 4 : i32
        %rem3A_248 = arith.remsi %add3A_246, %rem3A_247 : i32
        %rem3A_249 = arith.constant 2 : i32
        %rem3A_250 = arith.remsi %add3A_246, %rem3A_249 : i32
        %dma_start3A_251 = arith.constant 0 : i32
        %dma_start3A_252 = arith.constant 0 : i32
        %dma_start3A_253 = tpu.memref_slice %arg8[%rem3A_250, %dma_start3A_251, %dma_start3A_252] : memref<2x128x128xf32, #tpu.memory_space<vmem>> -> memref<1x128x128xf32, #tpu.memory_space<vmem>>
        %dma_start3A_254 = tpu.memref_squeeze %dma_start3A_253 : memref<1x128x128xf32, #tpu.memory_space<vmem>> -> memref<128x128xf32, #tpu.memory_space<vmem>>
        %dma_start3A_255 = arith.constant 0 : i32
        %dma_start3A_256 = tpu.memref_slice %arg6[%rem3A_248, %dma_start3A_255] : memref<4x128xi32, #tpu.memory_space<vmem>> -> memref<1x128xi32, #tpu.memory_space<vmem>>
        %dma_start3A_257 = tpu.memref_squeeze %dma_start3A_256 : memref<1x128xi32, #tpu.memory_space<vmem>> -> memref<128xi32, #tpu.memory_space<vmem>>
        %dma_start3A_258 = arith.constant 0 : i32
        %dma_start3A_259 = arith.constant 0 : i32
        %dma_start3A_260 = tpu.memref_slice %arg2[%dma_start3A_258, %dma_start3A_259] : memref<10000x128xf32, #tpu.memory_space<hbm>> -> memref<10000x128xf32, #tpu.memory_space<hbm>>
        tpu.enqueue_indirect_dma source(%dma_start3A_260 : memref<10000x128xf32, #tpu.memory_space<hbm>>) target(%dma_start3A_254 : memref<128x128xf32, #tpu.memory_space<vmem>>) offsets(%dma_start3A_257 : memref<128xi32, #tpu.memory_space<vmem>>) semaphore(%arg11 : memref<!tpu.dma_semaphore, #tpu.memory_space<semaphore_mem>>)
      } else {
      }
      %rem3A_185 = arith.constant 2 : i32
      %rem3A_186 = arith.remsi %while3A_175, %rem3A_185 : i32
      %rem3A_187 = arith.constant 4 : i32
      %rem3A_188 = arith.remsi %while3A_175, %rem3A_187 : i32
      %dma_wait3A_189 = arith.constant 0 : i32
      %dma_wait3A_190 = arith.constant 0 : i32
      %dma_wait3A_191 = tpu.memref_slice %arg8[%rem3A_186, %dma_wait3A_189, %dma_wait3A_190] : memref<2x128x128xf32, #tpu.memory_space<vmem>> -> memref<1x128x128xf32, #tpu.memory_space<vmem>>
      %dma_wait3A_192 = tpu.memref_squeeze %dma_wait3A_191 : memref<1x128x128xf32, #tpu.memory_space<vmem>> -> memref<128x128xf32, #tpu.memory_space<vmem>>
      %dma_wait3A_193 = arith.constant 0 : i32
      %dma_wait3A_194 = tpu.memref_slice %arg6[%rem3A_188, %dma_wait3A_193] : memref<4x128xi32, #tpu.memory_space<vmem>> -> memref<1x128xi32, #tpu.memory_space<vmem>>
      %dma_wait3A_195 = tpu.memref_squeeze %dma_wait3A_194 : memref<1x128xi32, #tpu.memory_space<vmem>> -> memref<128xi32, #tpu.memory_space<vmem>>
      %dma_wait3A_196 = arith.constant 0 : i32
      %dma_wait3A_197 = arith.constant 0 : i32
      %dma_wait3A_198 = tpu.memref_slice %arg2[%dma_wait3A_196, %dma_wait3A_197] : memref<10000x128xf32, #tpu.memory_space<hbm>> -> memref<10000x128xf32, #tpu.memory_space<hbm>>
      tpu.wait_indirect_dma semaphore(%arg11 : memref<!tpu.dma_semaphore, #tpu.memory_space<semaphore_mem>>) src(%dma_wait3A_198 : memref<10000x128xf32, #tpu.memory_space<hbm>>) dst(%dma_wait3A_192 : memref<128x128xf32, #tpu.memory_space<vmem>>)
      %dma_start3A_199 = arith.constant 0 : i32
      %dma_start3A_200 = arith.constant 0 : i32
      %dma_start3A_201 = tpu.memref_slice %arg8[%rem3A_186, %dma_start3A_199, %dma_start3A_200] : memref<2x128x128xf32, #tpu.memory_space<vmem>> -> memref<1x128x128xf32, #tpu.memory_space<vmem>>
      %dma_start3A_202 = tpu.memref_squeeze %dma_start3A_201 : memref<1x128x128xf32, #tpu.memory_space<vmem>> -> memref<128x128xf32, #tpu.memory_space<vmem>>
      %dma_start3A_203 = arith.constant 0 : i32
      %dma_start3A_204 = tpu.memref_slice %arg7[%rem3A_188, %dma_start3A_203] : memref<4x128xi32, #tpu.memory_space<vmem>> -> memref<1x128xi32, #tpu.memory_space<vmem>>
      %dma_start3A_205 = tpu.memref_squeeze %dma_start3A_204 : memref<1x128xi32, #tpu.memory_space<vmem>> -> memref<128xi32, #tpu.memory_space<vmem>>
      %dma_start3A_206 = arith.constant 0 : i32
      %dma_start3A_207 = arith.constant 0 : i32
      %dma_start3A_208 = tpu.memref_slice %arg9[%dma_start3A_206, %dma_start3A_207] : memref<10112x128xf32, #tpu.memory_space<vmem_shared>> -> memref<10112x128xf32, #tpu.memory_space<vmem_shared>>
      tpu.enqueue_indirect_dma source(%dma_start3A_202 : memref<128x128xf32, #tpu.memory_space<vmem>>) target(%dma_start3A_208 : memref<10112x128xf32, #tpu.memory_space<vmem_shared>>) offsets(%dma_start3A_205 : memref<128xi32, #tpu.memory_space<vmem>>) semaphore(%arg12 : memref<!tpu.dma_semaphore, #tpu.memory_space<semaphore_mem>>) {add = true}
    }
    %while3A_137 = arith.constant 1 : i32
    scf.for %while3A_175 = %while3A_135 to %while3A_131 step %while3A_137  : i32 {
      %add3A_176 = arith.constant 2 : i32
      %add3A_177 = arith.addi %while3A_175, %add3A_176 : i32
      %lt3A = arith.cmpi slt, %add3A_177, %sub3A : i32
      %convert_element_type3A = arith.extui %lt3A : i1 to i32
      %cond3A = arith.constant 0 : i32
      %cond3A_178 = arith.cmpi ne, %convert_element_type3A, %cond3A : i32
      scf.if %cond3A_178 {
        %add3A_209 = arith.constant 2 : i32
        %add3A_210 = arith.addi %while3A_175, %add3A_209 : i32
        %rem3A_211 = arith.constant 4 : i32
        %rem3A_212 = arith.remsi %add3A_210, %rem3A_211 : i32
        %add3A_213 = arith.addi %add3A, %add3A_210 : i32
        %dma_start3A_214 = arith.constant 0 : i32
        %dma_start3A_215 = arith.constant 0 : i32
        %dma_start3A_216 = tpu.memref_slice %arg6[%rem3A_212, %dma_start3A_215] : memref<4x128xi32, #tpu.memory_space<vmem>> -> memref<1x128xi32, #tpu.memory_space<vmem>>
        %dma_start3A_217 = tpu.memref_squeeze %dma_start3A_216 : memref<1x128xi32, #tpu.memory_space<vmem>> -> memref<128xi32, #tpu.memory_space<vmem>>
        %dma_start3A_218 = arith.constant 0 : i32
        %dma_start3A_219 = tpu.memref_slice %arg3[%dma_start3A_214, %add3A_213, %dma_start3A_218] : memref<2x2500x128xi32, #tpu.memory_space<hbm>> -> memref<1x1x128xi32, #tpu.memory_space<hbm>>
        %dma_start3A_220 = tpu.memref_squeeze %dma_start3A_219 : memref<1x1x128xi32, #tpu.memory_space<hbm>> -> memref<128xi32, #tpu.memory_space<hbm>>
        %dma_start3A_221 = arith.constant 0 : i32
        %dma_start3A_222 = tpu.memref_slice %arg6[%rem3A_212, %dma_start3A_221] : memref<4x128xi32, #tpu.memory_space<vmem>> -> memref<1x128xi32, #tpu.memory_space<vmem>>
        %dma_start3A_223 = tpu.memref_squeeze %dma_start3A_222 : memref<1x128xi32, #tpu.memory_space<vmem>> -> memref<128xi32, #tpu.memory_space<vmem>>
        %dma_start3A_224 = arith.constant 0 : i32
        %dma_start3A_225 = tpu.memref_slice %arg3[%dma_start3A_214, %add3A_213, %dma_start3A_224] : memref<2x2500x128xi32, #tpu.memory_space<hbm>> -> memref<1x1x128xi32, #tpu.memory_space<hbm>>
        %dma_start3A_226 = tpu.memref_squeeze %dma_start3A_225 : memref<1x1x128xi32, #tpu.memory_space<hbm>> -> memref<128xi32, #tpu.memory_space<hbm>>
        tpu.enqueue_dma source(%dma_start3A_226 : memref<128xi32, #tpu.memory_space<hbm>>) target(%dma_start3A_223 : memref<128xi32, #tpu.memory_space<vmem>>) target_semaphore(%arg10 : memref<!tpu.dma_semaphore, #tpu.memory_space<semaphore_mem>>)
        %add3A_227 = arith.addi %add3A, %add3A_210 : i32
        %dma_start3A_228 = arith.constant 1 : i32
        %dma_start3A_229 = arith.constant 0 : i32
        %dma_start3A_230 = tpu.memref_slice %arg7[%rem3A_212, %dma_start3A_229] : memref<4x128xi32, #tpu.memory_space<vmem>> -> memref<1x128xi32, #tpu.memory_space<vmem>>
        %dma_start3A_231 = tpu.memref_squeeze %dma_start3A_230 : memref<1x128xi32, #tpu.memory_space<vmem>> -> memref<128xi32, #tpu.memory_space<vmem>>
        %dma_start3A_232 = arith.constant 0 : i32
        %dma_start3A_233 = tpu.memref_slice %arg3[%dma_start3A_228, %add3A_227, %dma_start3A_232] : memref<2x2500x128xi32, #tpu.memory_space<hbm>> -> memref<1x1x128xi32, #tpu.memory_space<hbm>>
        %dma_start3A_234 = tpu.memref_squeeze %dma_start3A_233 : memref<1x1x128xi32, #tpu.memory_space<hbm>> -> memref<128xi32, #tpu.memory_space<hbm>>
        %dma_start3A_235 = arith.constant 0 : i32
        %dma_start3A_236 = tpu.memref_slice %arg7[%rem3A_212, %dma_start3A_235] : memref<4x128xi32, #tpu.memory_space<vmem>> -> memref<1x128xi32, #tpu.memory_space<vmem>>
        %dma_start3A_237 = tpu.memref_squeeze %dma_start3A_236 : memref<1x128xi32, #tpu.memory_space<vmem>> -> memref<128xi32, #tpu.memory_space<vmem>>
        %dma_start3A_238 = arith.constant 0 : i32
        %dma_start3A_239 = tpu.memref_slice %arg3[%dma_start3A_228, %add3A_227, %dma_start3A_238] : memref<2x2500x128xi32, #tpu.memory_space<hbm>> -> memref<1x1x128xi32, #tpu.memory_space<hbm>>
        %dma_start3A_240 = tpu.memref_squeeze %dma_start3A_239 : memref<1x1x128xi32, #tpu.memory_space<hbm>> -> memref<128xi32, #tpu.memory_space<hbm>>
        tpu.enqueue_dma source(%dma_start3A_240 : memref<128xi32, #tpu.memory_space<hbm>>) target(%dma_start3A_237 : memref<128xi32, #tpu.memory_space<vmem>>) target_semaphore(%arg10 : memref<!tpu.dma_semaphore, #tpu.memory_space<semaphore_mem>>)
      } else {
      }
      %add3A_179 = arith.constant 1 : i32
      %add3A_180 = arith.addi %while3A_175, %add3A_179 : i32
      %lt3A_181 = arith.cmpi slt, %add3A_180, %sub3A : i32
      %convert_element_type3A_182 = arith.extui %lt3A_181 : i1 to i32
      %cond3A_183 = arith.constant 0 : i32
      %cond3A_184 = arith.cmpi ne, %convert_element_type3A_182, %cond3A_183 : i32
      scf.if %cond3A_184 {
        %add3A_209 = arith.constant 1 : i32
        %add3A_210 = arith.addi %while3A_175, %add3A_209 : i32
        %rem3A_211 = arith.constant 4 : i32
        %rem3A_212 = arith.remsi %add3A_210, %rem3A_211 : i32
        %add3A_213 = arith.addi %add3A, %add3A_210 : i32
        %dma_wait3A_214 = arith.constant 0 : i32
        %dma_wait3A_215 = arith.constant 0 : i32
        %dma_wait3A_216 = tpu.memref_slice %arg6[%rem3A_212, %dma_wait3A_215] : memref<4x128xi32, #tpu.memory_space<vmem>> -> memref<1x128xi32, #tpu.memory_space<vmem>>
        %dma_wait3A_217 = tpu.memref_squeeze %dma_wait3A_216 : memref<1x128xi32, #tpu.memory_space<vmem>> -> memref<128xi32, #tpu.memory_space<vmem>>
        %dma_wait3A_218 = arith.constant 0 : i32
        %dma_wait3A_219 = tpu.memref_slice %arg3[%dma_wait3A_214, %add3A_213, %dma_wait3A_218] : memref<2x2500x128xi32, #tpu.memory_space<hbm>> -> memref<1x1x128xi32, #tpu.memory_space<hbm>>
        %dma_wait3A_220 = tpu.memref_squeeze %dma_wait3A_219 : memref<1x1x128xi32, #tpu.memory_space<hbm>> -> memref<128xi32, #tpu.memory_space<hbm>>
        %dma_wait3A_221 = arith.constant 0 : i32
        %dma_wait3A_222 = tpu.memref_slice %arg6[%rem3A_212, %dma_wait3A_221] : memref<4x128xi32, #tpu.memory_space<vmem>> -> memref<1x128xi32, #tpu.memory_space<vmem>>
        %dma_wait3A_223 = tpu.memref_squeeze %dma_wait3A_222 : memref<1x128xi32, #tpu.memory_space<vmem>> -> memref<128xi32, #tpu.memory_space<vmem>>
        %dma_wait3A_224 = arith.constant 0 : i32
        %dma_wait3A_225 = tpu.memref_slice %arg3[%dma_wait3A_214, %add3A_213, %dma_wait3A_224] : memref<2x2500x128xi32, #tpu.memory_space<hbm>> -> memref<1x1x128xi32, #tpu.memory_space<hbm>>
        %dma_wait3A_226 = tpu.memref_squeeze %dma_wait3A_225 : memref<1x1x128xi32, #tpu.memory_space<hbm>> -> memref<128xi32, #tpu.memory_space<hbm>>
        tpu.wait_dma2 semaphore(%arg10 : memref<!tpu.dma_semaphore, #tpu.memory_space<semaphore_mem>>) src(%dma_wait3A_226 : memref<128xi32, #tpu.memory_space<hbm>>) dst(%dma_wait3A_223 : memref<128xi32, #tpu.memory_space<vmem>>)
        %add3A_227 = arith.addi %add3A, %add3A_210 : i32
        %dma_wait3A_228 = arith.constant 1 : i32
        %dma_wait3A_229 = arith.constant 0 : i32
        %dma_wait3A_230 = tpu.memref_slice %arg7[%rem3A_212, %dma_wait3A_229] : memref<4x128xi32, #tpu.memory_space<vmem>> -> memref<1x128xi32, #tpu.memory_space<vmem>>
        %dma_wait3A_231 = tpu.memref_squeeze %dma_wait3A_230 : memref<1x128xi32, #tpu.memory_space<vmem>> -> memref<128xi32, #tpu.memory_space<vmem>>
        %dma_wait3A_232 = arith.constant 0 : i32
        %dma_wait3A_233 = tpu.memref_slice %arg3[%dma_wait3A_228, %add3A_227, %dma_wait3A_232] : memref<2x2500x128xi32, #tpu.memory_space<hbm>> -> memref<1x1x128xi32, #tpu.memory_space<hbm>>
        %dma_wait3A_234 = tpu.memref_squeeze %dma_wait3A_233 : memref<1x1x128xi32, #tpu.memory_space<hbm>> -> memref<128xi32, #tpu.memory_space<hbm>>
        %dma_wait3A_235 = arith.constant 0 : i32
        %dma_wait3A_236 = tpu.memref_slice %arg7[%rem3A_212, %dma_wait3A_235] : memref<4x128xi32, #tpu.memory_space<vmem>> -> memref<1x128xi32, #tpu.memory_space<vmem>>
        %dma_wait3A_237 = tpu.memref_squeeze %dma_wait3A_236 : memref<1x128xi32, #tpu.memory_space<vmem>> -> memref<128xi32, #tpu.memory_space<vmem>>
        %dma_wait3A_238 = arith.constant 0 : i32
        %dma_wait3A_239 = tpu.memref_slice %arg3[%dma_wait3A_228, %add3A_227, %dma_wait3A_238] : memref<2x2500x128xi32, #tpu.memory_space<hbm>> -> memref<1x1x128xi32, #tpu.memory_space<hbm>>
        %dma_wait3A_240 = tpu.memref_squeeze %dma_wait3A_239 : memref<1x1x128xi32, #tpu.memory_space<hbm>> -> memref<128xi32, #tpu.memory_space<hbm>>
        tpu.wait_dma2 semaphore(%arg10 : memref<!tpu.dma_semaphore, #tpu.memory_space<semaphore_mem>>) src(%dma_wait3A_240 : memref<128xi32, #tpu.memory_space<hbm>>) dst(%dma_wait3A_237 : memref<128xi32, #tpu.memory_space<vmem>>)
        %ge3A = arith.constant 1 : i32
        %ge3A_241 = arith.cmpi sge, %while3A_175, %ge3A : i32
        %convert_element_type3A_242 = arith.extui %ge3A_241 : i1 to i32
        %cond3A_243 = arith.constant 0 : i32
        %cond3A_244 = arith.cmpi ne, %convert_element_type3A_242, %cond3A_243 : i32
        scf.if %cond3A_244 {
          %sub3A_261 = arith.constant 1 : i32
          %sub3A_262 = arith.subi %while3A_175, %sub3A_261 : i32
          %rem3A_263 = arith.constant 2 : i32
          %rem3A_264 = arith.remsi %sub3A_262, %rem3A_263 : i32
          %rem3A_265 = arith.constant 4 : i32
          %rem3A_266 = arith.remsi %sub3A_262, %rem3A_265 : i32
          %dma_wait3A_267 = arith.constant 0 : i32
          %dma_wait3A_268 = arith.constant 0 : i32
          %dma_wait3A_269 = tpu.memref_slice %arg8[%rem3A_264, %dma_wait3A_267, %dma_wait3A_268] : memref<2x128x128xf32, #tpu.memory_space<vmem>> -> memref<1x128x128xf32, #tpu.memory_space<vmem>>
          %dma_wait3A_270 = tpu.memref_squeeze %dma_wait3A_269 : memref<1x128x128xf32, #tpu.memory_space<vmem>> -> memref<128x128xf32, #tpu.memory_space<vmem>>
          %dma_wait3A_271 = arith.constant 0 : i32
          %dma_wait3A_272 = tpu.memref_slice %arg7[%rem3A_266, %dma_wait3A_271] : memref<4x128xi32, #tpu.memory_space<vmem>> -> memref<1x128xi32, #tpu.memory_space<vmem>>
          %dma_wait3A_273 = tpu.memref_squeeze %dma_wait3A_272 : memref<1x128xi32, #tpu.memory_space<vmem>> -> memref<128xi32, #tpu.memory_space<vmem>>
          %dma_wait3A_274 = arith.constant 0 : i32
          %dma_wait3A_275 = arith.constant 0 : i32
          %dma_wait3A_276 = tpu.memref_slice %arg9[%dma_wait3A_274, %dma_wait3A_275] : memref<10112x128xf32, #tpu.memory_space<vmem_shared>> -> memref<10112x128xf32, #tpu.memory_space<vmem_shared>>
          tpu.wait_indirect_dma semaphore(%arg12 : memref<!tpu.dma_semaphore, #tpu.memory_space<semaphore_mem>>) src(%dma_wait3A_270 : memref<128x128xf32, #tpu.memory_space<vmem>>) dst(%dma_wait3A_276 : memref<10112x128xf32, #tpu.memory_space<vmem_shared>>)
        } else {
        }
        %add3A_245 = arith.constant 1 : i32
        %add3A_246 = arith.addi %while3A_175, %add3A_245 : i32
        %rem3A_247 = arith.constant 4 : i32
        %rem3A_248 = arith.remsi %add3A_246, %rem3A_247 : i32
        %rem3A_249 = arith.constant 2 : i32
        %rem3A_250 = arith.remsi %add3A_246, %rem3A_249 : i32
        %dma_start3A_251 = arith.constant 0 : i32
        %dma_start3A_252 = arith.constant 0 : i32
        %dma_start3A_253 = tpu.memref_slice %arg8[%rem3A_250, %dma_start3A_251, %dma_start3A_252] : memref<2x128x128xf32, #tpu.memory_space<vmem>> -> memref<1x128x128xf32, #tpu.memory_space<vmem>>
        %dma_start3A_254 = tpu.memref_squeeze %dma_start3A_253 : memref<1x128x128xf32, #tpu.memory_space<vmem>> -> memref<128x128xf32, #tpu.memory_space<vmem>>
        %dma_start3A_255 = arith.constant 0 : i32
        %dma_start3A_256 = tpu.memref_slice %arg6[%rem3A_248, %dma_start3A_255] : memref<4x128xi32, #tpu.memory_space<vmem>> -> memref<1x128xi32, #tpu.memory_space<vmem>>
        %dma_start3A_257 = tpu.memref_squeeze %dma_start3A_256 : memref<1x128xi32, #tpu.memory_space<vmem>> -> memref<128xi32, #tpu.memory_space<vmem>>
        %dma_start3A_258 = arith.constant 0 : i32
        %dma_start3A_259 = arith.constant 0 : i32
        %dma_start3A_260 = tpu.memref_slice %arg2[%dma_start3A_258, %dma_start3A_259] : memref<10000x128xf32, #tpu.memory_space<hbm>> -> memref<10000x128xf32, #tpu.memory_space<hbm>>
        tpu.enqueue_indirect_dma source(%dma_start3A_260 : memref<10000x128xf32, #tpu.memory_space<hbm>>) target(%dma_start3A_254 : memref<128x128xf32, #tpu.memory_space<vmem>>) offsets(%dma_start3A_257 : memref<128xi32, #tpu.memory_space<vmem>>) semaphore(%arg11 : memref<!tpu.dma_semaphore, #tpu.memory_space<semaphore_mem>>)
      } else {
      }
      %rem3A_185 = arith.constant 2 : i32
      %rem3A_186 = arith.remsi %while3A_175, %rem3A_185 : i32
      %rem3A_187 = arith.constant 4 : i32
      %rem3A_188 = arith.remsi %while3A_175, %rem3A_187 : i32
      %dma_wait3A_189 = arith.constant 0 : i32
      %dma_wait3A_190 = arith.constant 0 : i32
      %dma_wait3A_191 = tpu.memref_slice %arg8[%rem3A_186, %dma_wait3A_189, %dma_wait3A_190] : memref<2x128x128xf32, #tpu.memory_space<vmem>> -> memref<1x128x128xf32, #tpu.memory_space<vmem>>
      %dma_wait3A_192 = tpu.memref_squeeze %dma_wait3A_191 : memref<1x128x128xf32, #tpu.memory_space<vmem>> -> memref<128x128xf32, #tpu.memory_space<vmem>>
      %dma_wait3A_193 = arith.constant 0 : i32
      %dma_wait3A_194 = tpu.memref_slice %arg6[%rem3A_188, %dma_wait3A_193] : memref<4x128xi32, #tpu.memory_space<vmem>> -> memref<1x128xi32, #tpu.memory_space<vmem>>
      %dma_wait3A_195 = tpu.memref_squeeze %dma_wait3A_194 : memref<1x128xi32, #tpu.memory_space<vmem>> -> memref<128xi32, #tpu.memory_space<vmem>>
      %dma_wait3A_196 = arith.constant 0 : i32
      %dma_wait3A_197 = arith.constant 0 : i32
      %dma_wait3A_198 = tpu.memref_slice %arg2[%dma_wait3A_196, %dma_wait3A_197] : memref<10000x128xf32, #tpu.memory_space<hbm>> -> memref<10000x128xf32, #tpu.memory_space<hbm>>
      tpu.wait_indirect_dma semaphore(%arg11 : memref<!tpu.dma_semaphore, #tpu.memory_space<semaphore_mem>>) src(%dma_wait3A_198 : memref<10000x128xf32, #tpu.memory_space<hbm>>) dst(%dma_wait3A_192 : memref<128x128xf32, #tpu.memory_space<vmem>>)
      %dma_start3A_199 = arith.constant 0 : i32
      %dma_start3A_200 = arith.constant 0 : i32
      %dma_start3A_201 = tpu.memref_slice %arg8[%rem3A_186, %dma_start3A_199, %dma_start3A_200] : memref<2x128x128xf32, #tpu.memory_space<vmem>> -> memref<1x128x128xf32, #tpu.memory_space<vmem>>
      %dma_start3A_202 = tpu.memref_squeeze %dma_start3A_201 : memref<1x128x128xf32, #tpu.memory_space<vmem>> -> memref<128x128xf32, #tpu.memory_space<vmem>>
      %dma_start3A_203 = arith.constant 0 : i32
      %dma_start3A_204 = tpu.memref_slice %arg7[%rem3A_188, %dma_start3A_203] : memref<4x128xi32, #tpu.memory_space<vmem>> -> memref<1x128xi32, #tpu.memory_space<vmem>>
      %dma_start3A_205 = tpu.memref_squeeze %dma_start3A_204 : memref<1x128xi32, #tpu.memory_space<vmem>> -> memref<128xi32, #tpu.memory_space<vmem>>
      %dma_start3A_206 = arith.constant 0 : i32
      %dma_start3A_207 = arith.constant 0 : i32
      %dma_start3A_208 = tpu.memref_slice %arg9[%dma_start3A_206, %dma_start3A_207] : memref<10112x128xf32, #tpu.memory_space<vmem_shared>> -> memref<10112x128xf32, #tpu.memory_space<vmem_shared>>
      tpu.enqueue_indirect_dma source(%dma_start3A_202 : memref<128x128xf32, #tpu.memory_space<vmem>>) target(%dma_start3A_208 : memref<10112x128xf32, #tpu.memory_space<vmem_shared>>) offsets(%dma_start3A_205 : memref<128xi32, #tpu.memory_space<vmem>>) semaphore(%arg12 : memref<!tpu.dma_semaphore, #tpu.memory_space<semaphore_mem>>) {add = true}
    }
    %sub3A_138 = arith.constant 2 : i32
    %sub3A_139 = arith.subi %sub3A, %sub3A_138 : i32
    %rem3A_140 = arith.constant 2 : i32
    %rem3A_141 = arith.remsi %sub3A_139, %rem3A_140 : i32
    %rem3A_142 = arith.constant 4 : i32
    %rem3A_143 = arith.remsi %sub3A_139, %rem3A_142 : i32
    %dma_wait3A_144 = arith.constant 0 : i32
    %dma_wait3A_145 = arith.constant 0 : i32
    %dma_wait3A_146 = tpu.memref_slice %arg8[%rem3A_141, %dma_wait3A_144, %dma_wait3A_145] : memref<2x128x128xf32, #tpu.memory_space<vmem>> -> memref<1x128x128xf32, #tpu.memory_space<vmem>>
    %dma_wait3A_147 = tpu.memref_squeeze %dma_wait3A_146 : memref<1x128x128xf32, #tpu.memory_space<vmem>> -> memref<128x128xf32, #tpu.memory_space<vmem>>
    %dma_wait3A_148 = arith.constant 0 : i32
    %dma_wait3A_149 = tpu.memref_slice %arg7[%rem3A_143, %dma_wait3A_148] : memref<4x128xi32, #tpu.memory_space<vmem>> -> memref<1x128xi32, #tpu.memory_space<vmem>>
    %dma_wait3A_150 = tpu.memref_squeeze %dma_wait3A_149 : memref<1x128xi32, #tpu.memory_space<vmem>> -> memref<128xi32, #tpu.memory_space<vmem>>
    %dma_wait3A_151 = arith.constant 0 : i32
    %dma_wait3A_152 = arith.constant 0 : i32
    %dma_wait3A_153 = tpu.memref_slice %arg9[%dma_wait3A_151, %dma_wait3A_152] : memref<10112x128xf32, #tpu.memory_space<vmem_shared>> -> memref<10112x128xf32, #tpu.memory_space<vmem_shared>>
    tpu.wait_indirect_dma semaphore(%arg12 : memref<!tpu.dma_semaphore, #tpu.memory_space<semaphore_mem>>) src(%dma_wait3A_147 : memref<128x128xf32, #tpu.memory_space<vmem>>) dst(%dma_wait3A_153 : memref<10112x128xf32, #tpu.memory_space<vmem_shared>>)
    %sub3A_154 = arith.constant 1 : i32
    %sub3A_155 = arith.subi %sub3A, %sub3A_154 : i32
    %rem3A_156 = arith.constant 2 : i32
    %rem3A_157 = arith.remsi %sub3A_155, %rem3A_156 : i32
    %rem3A_158 = arith.constant 4 : i32
    %rem3A_159 = arith.remsi %sub3A_155, %rem3A_158 : i32
    %dma_wait3A_160 = arith.constant 0 : i32
    %dma_wait3A_161 = arith.constant 0 : i32
    %dma_wait3A_162 = tpu.memref_slice %arg8[%rem3A_157, %dma_wait3A_160, %dma_wait3A_161] : memref<2x128x128xf32, #tpu.memory_space<vmem>> -> memref<1x128x128xf32, #tpu.memory_space<vmem>>
    %dma_wait3A_163 = tpu.memref_squeeze %dma_wait3A_162 : memref<1x128x128xf32, #tpu.memory_space<vmem>> -> memref<128x128xf32, #tpu.memory_space<vmem>>
    %dma_wait3A_164 = arith.constant 0 : i32
    %dma_wait3A_165 = tpu.memref_slice %arg7[%rem3A_159, %dma_wait3A_164] : memref<4x128xi32, #tpu.memory_space<vmem>> -> memref<1x128xi32, #tpu.memory_space<vmem>>
    %dma_wait3A_166 = tpu.memref_squeeze %dma_wait3A_165 : memref<1x128xi32, #tpu.memory_space<vmem>> -> memref<128xi32, #tpu.memory_space<vmem>>
    %dma_wait3A_167 = arith.constant 0 : i32
    %dma_wait3A_168 = arith.constant 0 : i32
    %dma_wait3A_169 = tpu.memref_slice %arg9[%dma_wait3A_167, %dma_wait3A_168] : memref<10112x128xf32, #tpu.memory_space<vmem_shared>> -> memref<10112x128xf32, #tpu.memory_space<vmem_shared>>
    tpu.wait_indirect_dma semaphore(%arg12 : memref<!tpu.dma_semaphore, #tpu.memory_space<semaphore_mem>>) src(%dma_wait3A_163 : memref<128x128xf32, #tpu.memory_space<vmem>>) dst(%dma_wait3A_169 : memref<10112x128xf32, #tpu.memory_space<vmem_shared>>)
    %barrier3A_170 = arith.constant 0 : index
    tpu.barrier barrier_id(%barrier3A_170)
    %mul3A_171 = arith.constant 632 : i32
    %mul3A_172 = arith.muli %arg1, %mul3A_171 : i32
    %mul3A_173 = arith.constant 632 : i32
    %mul3A_174 = arith.muli %arg1, %mul3A_173 : i32
    "tpu.region"() ({
      %run_scoped3A = tpu.sem_alloc : memref<!tpu.dma_semaphore, #tpu.memory_space<semaphore_mem>>
      %dma_start3A_175 = arith.constant 0 : i32
      %dma_start3A_176 = tpu.memref_slice %arg5[%arg0, %mul3A_174, %dma_start3A_175] : memref<2x10112x128xf32, #tpu.memory_space<hbm>> -> memref<1x632x128xf32, #tpu.memory_space<hbm>>
      %dma_start3A_177 = tpu.memref_squeeze %dma_start3A_176 : memref<1x632x128xf32, #tpu.memory_space<hbm>> -> memref<632x128xf32, #tpu.memory_space<hbm>>
      %dma_start3A_178 = arith.constant 0 : i32
      %dma_start3A_179 = tpu.memref_slice %arg9[%mul3A_172, %dma_start3A_178] : memref<10112x128xf32, #tpu.memory_space<vmem_shared>> -> memref<632x128xf32, #tpu.memory_space<vmem_shared>>
      tpu.enqueue_dma source(%dma_start3A_179 : memref<632x128xf32, #tpu.memory_space<vmem_shared>>) target(%dma_start3A_177 : memref<632x128xf32, #tpu.memory_space<hbm>>) target_semaphore(%run_scoped3A : memref<!tpu.dma_semaphore, #tpu.memory_space<semaphore_mem>>)
      %dma_wait3A_180 = arith.constant 0 : i32
      %dma_wait3A_181 = tpu.memref_slice %arg5[%arg0, %mul3A_174, %dma_wait3A_180] : memref<2x10112x128xf32, #tpu.memory_space<hbm>> -> memref<1x632x128xf32, #tpu.memory_space<hbm>>
      %dma_wait3A_182 = tpu.memref_squeeze %dma_wait3A_181 : memref<1x632x128xf32, #tpu.memory_space<hbm>> -> memref<632x128xf32, #tpu.memory_space<hbm>>
      %dma_wait3A_183 = arith.constant 0 : i32
      %dma_wait3A_184 = tpu.memref_slice %arg9[%mul3A_172, %dma_wait3A_183] : memref<10112x128xf32, #tpu.memory_space<vmem_shared>> -> memref<632x128xf32, #tpu.memory_space<vmem_shared>>
      tpu.wait_dma2 semaphore(%run_scoped3A : memref<!tpu.dma_semaphore, #tpu.memory_space<semaphore_mem>>) src(%dma_wait3A_184 : memref<632x128xf32, #tpu.memory_space<vmem_shared>>) dst(%dma_wait3A_182 : memref<632x128xf32, #tpu.memory_space<hbm>>)
      tpu.yield
    }) : () -> ()
    return
  }
}

module attributes {stable_mosaic.version = 14 : i64} {
  func.func @_tc_finish_kernel(%arg0: i32, %arg1: memref<2x10000x128xf32, #tpu.memory_space<vmem>>, %arg2: memref<32x32xf32, #tpu.memory_space<vmem>>, %arg3: memref<1x32xf32, #tpu.memory_space<vmem>>, %arg4: memref<1xf32, #tpu.memory_space<smem>>, %arg5: memref<128x32xf32, #tpu.memory_space<vmem>>, %arg6: memref<17x10000xf32, #tpu.memory_space<vmem>>, %arg7: memref<10000xi32, #tpu.memory_space<vmem>>, %arg8: memref<32x128xf32, #tpu.memory_space<vmem>>) attributes {dimension_semantics = [#tpu.dimension_semantics<arbitrary>], iteration_bounds = array<i64: 1>, scalar_prefetch = 0 : i64, scratch_operands = 1 : i64, tpu.core_type = #tpu.core_type<tc>, window_params = [{transform_indices = @transform_0, window_bounds = array<i64: 2, 10000, 128>}, {pipeline_mode = #tpu.pipeline_mode<synchronous>, transform_indices = @transform_1, window_bounds = array<i64: 32, 32>}, {pipeline_mode = #tpu.pipeline_mode<synchronous>, transform_indices = @transform_2, window_bounds = array<i64: 1, 32>}, {transform_indices = @transform_3, window_bounds = array<i64: 1>}, {pipeline_mode = #tpu.pipeline_mode<synchronous>, transform_indices = @transform_4, window_bounds = array<i64: 128, 32>}, {pipeline_mode = #tpu.pipeline_mode<synchronous>, transform_indices = @transform_5, window_bounds = array<i64: 17, 10000>}, {pipeline_mode = #tpu.pipeline_mode<synchronous>, transform_indices = @transform_6, window_bounds = array<i64: 10000>}]} {
    %eq3A = arith.constant 0 : i32
    %eq3A_0 = arith.cmpi eq, %arg0, %eq3A : i32
    %convert_element_type3A = arith.extui %eq3A_0 : i1 to i32
    %cond3A = arith.constant 0 : i32
    %cond3A_1 = arith.cmpi ne, %convert_element_type3A, %cond3A : i32
    scf.if %cond3A_1 {
      %get3A_29 = arith.constant 0 : index
      %get3A_30 = memref.load %arg4[%get3A_29] : memref<1xf32, #tpu.memory_space<smem>>
      %get3A_31 = arith.constant 0 : index
      %get3A_32 = arith.constant 0 : index
      %get3A_33 = vector.load %arg2[%get3A_31, %get3A_32] : memref<32x32xf32, #tpu.memory_space<vmem>>, vector<32x32xf32>
      %transpose3A_34 = tpu.transpose %get3A_33, [1, 0] : vector<32x32xf32> -> vector<32x32xf32>
      %iota3A_35 = tpu.iota {dimensions = array<i32: 0>} : vector<32x32xi32>
      %get3A_36 = arith.constant 0 : index
      %get3A_37 = arith.constant 0 : index
      %get3A_38 = vector.load %arg3[%get3A_36, %get3A_37] : memref<1x32xf32, #tpu.memory_space<vmem>>, vector<1x32xf32>
      %broadcast_in_dim3A_39 = arith.constant 0.000000e+00 : f32
      %broadcast_in_dim3A_40 = vector.broadcast %broadcast_in_dim3A_39 : f32 to vector<32x32xf32>
      %scan3A = arith.constant 0 : i32
      %scan3A_41 = arith.constant 17 : i32
      %scan3A_42 = arith.addi %scan3A, %scan3A_41 : i32
      %scan3A_43 = arith.constant 1 : i32
      %scan3A_44:2 = scf.for %scan3A_55 = %scan3A to %scan3A_42 step %scan3A_43 iter_args(%scan3A_56 = %get3A_38, %scan3A_57 = %broadcast_in_dim3A_40) -> (vector<1x32xf32>, vector<32x32xf32>)  : i32 {
        %dot_general3A_58 = arith.constant dense<0.000000e+00> : vector<1x32xf32>
        %dot_general3A_59 = tpu.matmul %scan3A_56, %transpose3A_34, %dot_general3A_58 {dimension_numbers = #tpu.dot_dimension_numbers<[1], [0], [0], [1], [0, 0, 1, 1], [], []>, transpose_lhs_hint = false} : vector<1x32xf32>, vector<32x32xf32>, vector<1x32xf32> -> vector<1x32xf32>
        %ge3A_60 = arith.constant 0.000000e+00 : f32
        %ge3A_61 = vector.broadcast %ge3A_60 : f32 to vector<1x32xf32>
        %ge3A_62 = arith.cmpf oge, %dot_general3A_59, %ge3A_61 : vector<1x32xf32>
        %mul3A = vector.broadcast %get3A_30 : f32 to vector<1x32xf32>
        %mul3A_63 = arith.mulf %mul3A, %dot_general3A_59 : vector<1x32xf32>
        %select_n3A_64 = arith.select %ge3A_62, %dot_general3A_59, %mul3A_63 : vector<1x32xi1>, vector<1x32xf32>
        %eq3A_65 = vector.broadcast %scan3A_55 : i32 to vector<32x32xi32>
        %eq3A_66 = arith.cmpi eq, %iota3A_35, %eq3A_65 : vector<32x32xi32>
        %broadcast_in_dim3A_67 = vector.shape_cast %select_n3A_64 : vector<1x32xf32> to vector<1x32xf32>
        %broadcast_in_dim3A_68 = vector.broadcast %broadcast_in_dim3A_67 : vector<1x32xf32> to vector<32x32xf32>
        %select_n3A_69 = arith.select %eq3A_66, %broadcast_in_dim3A_68, %scan3A_57 : vector<32x32xi1>, vector<32x32xf32>
        scf.yield %select_n3A_64, %select_n3A_69 : vector<1x32xf32>, vector<32x32xf32>
      }
      %scan3A_45 = arith.constant 17 : i32
      %get3A_46 = arith.constant 0 : index
      %get3A_47 = arith.constant 0 : index
      %get3A_48 = vector.load %arg5[%get3A_46, %get3A_47] : memref<128x32xf32, #tpu.memory_space<vmem>>, vector<128x32xf32>
      %transpose3A_49 = tpu.transpose %get3A_48, [1, 0] : vector<128x32xf32> -> vector<32x128xf32>
      %dot_general3A_50 = arith.constant dense<0.000000e+00> : vector<32x128xf32>
      %dot_general3A_51 = tpu.matmul %scan3A_44#1, %transpose3A_49, %dot_general3A_50 {dimension_numbers = #tpu.dot_dimension_numbers<[1], [0], [0], [1], [0, 0, 1, 1], [], []>, transpose_lhs_hint = false} : vector<32x32xf32>, vector<32x128xf32>, vector<32x128xf32> -> vector<32x128xf32>
      %swap3A_52 = arith.constant 0 : index
      %swap3A_53 = arith.constant 0 : index
      %swap3A_54 = vector.load %arg8[%swap3A_52, %swap3A_53] : memref<32x128xf32, #tpu.memory_space<vmem>>, vector<32x128xf32>
      tpu.vector_store %arg8[%swap3A_52, %swap3A_53], %dot_general3A_51 {strides = array<i32>} : memref<32x128xf32, #tpu.memory_space<vmem>>, vector<32x128xf32>,
    } else {
    }
    %get3A = arith.constant 0 : index
    %get3A_2 = arith.constant 0 : index
    %get3A_3 = vector.load %arg8[%get3A, %get3A_2] : memref<32x128xf32, #tpu.memory_space<vmem>>, vector<32x128xf32>
    %get3A_4 = arith.constant 0 : index
    %get3A_5 = arith.constant 0 : index
    %get3A_6 = arith.constant 0 : index
    %get3A_7 = vector.load %arg1[%get3A_4, %get3A_5, %get3A_6] : memref<2x10000x128xf32, #tpu.memory_space<vmem>>, vector<1x10000x128xf32>
    %get3A_8 = vector.shape_cast %get3A_7 : vector<1x10000x128xf32> to vector<10000x128xf32>
    %get3A_9 = arith.constant 1 : index
    %get3A_10 = arith.constant 0 : index
    %get3A_11 = arith.constant 0 : index
    %get3A_12 = vector.load %arg1[%get3A_9, %get3A_10, %get3A_11] : memref<2x10000x128xf32, #tpu.memory_space<vmem>>, vector<1x10000x128xf32>
    %get3A_13 = vector.shape_cast %get3A_12 : vector<1x10000x128xf32> to vector<10000x128xf32>
    %add3A = arith.addf %get3A_8, %get3A_13 : vector<10000x128xf32>
    %transpose3A = tpu.transpose %get3A_3, [1, 0] : vector<32x128xf32> -> vector<128x32xf32>
    %dot_general3A = arith.constant dense<0.000000e+00> : vector<10000x32xf32>
    %dot_general3A_14 = tpu.matmul %add3A, %transpose3A, %dot_general3A {dimension_numbers = #tpu.dot_dimension_numbers<[1], [0], [0], [1], [0, 0, 1, 1], [], []>, transpose_lhs_hint = false} : vector<10000x128xf32>, vector<128x32xf32>, vector<10000x32xf32> -> vector<10000x32xf32>
    %iota3A = tpu.iota {dimensions = array<i32: 1>} : vector<10000x32xi32>
    %lt3A = arith.constant 17 : i32
    %lt3A_15 = vector.broadcast %lt3A : i32 to vector<10000x32xi32>
    %lt3A_16 = arith.cmpi slt, %iota3A, %lt3A_15 : vector<10000x32xi32>
    %jit3A = arith.constant 0xFF800000 : f32
    %broadcast_in_dim3A = vector.broadcast %jit3A : f32 to vector<10000x32xf32>
    %select_n3A = arith.select %lt3A_16, %dot_general3A_14, %broadcast_in_dim3A : vector<10000x32xi1>, vector<10000x32xf32>
    %reduce_max3A = arith.constant dense<0xFF800000> : vector<10000xf32>
    %reduce_max3A_17 = vector.multi_reduction <maximumf>, %select_n3A, %reduce_max3A [1] : vector<10000x32xf32> to vector<10000xf32>
    %broadcast_in_dim3A_18 = vector.shape_cast %reduce_max3A_17 : vector<10000xf32> to vector<10000x1xf32>
    %ge3A = vector.broadcast %broadcast_in_dim3A_18 : vector<10000x1xf32> to vector<10000x32xf32>
    %ge3A_19 = arith.cmpf oge, %select_n3A, %ge3A : vector<10000x32xf32>
    %jit3A_20 = arith.constant 32 : i32
    %broadcast_in_dim3A_21 = vector.broadcast %jit3A_20 : i32 to vector<10000x32xi32>
    %select_n3A_22 = arith.select %ge3A_19, %iota3A, %broadcast_in_dim3A_21 : vector<10000x32xi1>, vector<10000x32xi32>
    %reduce_min3A = arith.constant dense<2147483647> : vector<10000xi32>
    %reduce_min3A_23 = vector.multi_reduction <minsi>, %select_n3A_22, %reduce_min3A [1] : vector<10000x32xi32> to vector<10000xi32>
    %transpose3A_24 = tpu.transpose %dot_general3A_14, [1, 0] : vector<10000x32xf32> -> vector<32x10000xf32>
    %slice3A = vector.extract_strided_slice %transpose3A_24 {offsets = [0, 0], sizes = [17, 10000], strides = [1, 1]} : vector<32x10000xf32> to vector<17x10000xf32>
    %swap3A = arith.constant 0 : index
    %swap3A_25 = arith.constant 0 : index
    %swap3A_26 = vector.load %arg6[%swap3A, %swap3A_25] : memref<17x10000xf32, #tpu.memory_space<vmem>>, vector<17x10000xf32>
    tpu.vector_store %arg6[%swap3A, %swap3A_25], %slice3A {strides = array<i32>} : memref<17x10000xf32, #tpu.memory_space<vmem>>, vector<17x10000xf32>,
    %swap3A_27 = arith.constant 0 : index
    %swap3A_28 = vector.load %arg7[%swap3A_27] : memref<10000xi32, #tpu.memory_space<vmem>>, vector<10000xi32>
    tpu.vector_store %arg7[%swap3A_27], %reduce_min3A_23 {strides = array<i32>} : memref<10000xi32, #tpu.memory_space<vmem>>, vector<10000xi32>,
    return
  }
  func.func @transform_0(%arg0: i32) -> (i32, i32, i32) {
    %c0_i32 = arith.constant 0 : i32
    %c0_i32_0 = arith.constant 0 : i32
    %c0_i32_1 = arith.constant 0 : i32
    %c0_i32_2 = arith.constant 0 : i32
    return %c0_i32, %c0_i32_0, %c0_i32_1 : i32, i32, i32
  }
  func.func @transform_1(%arg0: i32) -> (i32, i32) {
    %c0_i32 = arith.constant 0 : i32
    %c0_i32_0 = arith.constant 0 : i32
    %c0_i32_1 = arith.constant 0 : i32
    return %c0_i32, %c0_i32_0 : i32, i32
  }
  func.func @transform_2(%arg0: i32) -> (i32, i32) {
    %c0_i32 = arith.constant 0 : i32
    %c0_i32_0 = arith.constant 0 : i32
    %c0_i32_1 = arith.constant 0 : i32
    return %c0_i32, %c0_i32_0 : i32, i32
  }
  func.func @transform_3(%arg0: i32) -> i32 {
    %c0_i32 = arith.constant 0 : i32
    %c0_i32_0 = arith.constant 0 : i32
    return %c0_i32 : i32
  }
  func.func @transform_4(%arg0: i32) -> (i32, i32) {
    %c0_i32 = arith.constant 0 : i32
    %c0_i32_0 = arith.constant 0 : i32
    %c0_i32_1 = arith.constant 0 : i32
    return %c0_i32, %c0_i32_0 : i32, i32
  }
  func.func @transform_5(%arg0: i32) -> (i32, i32) {
    %c0_i32 = arith.constant 0 : i32
    %c0_i32_0 = arith.constant 0 : i32
    %c0_i32_1 = arith.constant 0 : i32
    return %c0_i32, %c0_i32_0 : i32, i32
  }
  func.func @transform_6(%arg0: i32) -> i32 {
    %c0_i32 = arith.constant 0 : i32
    %c0_i32_0 = arith.constant 0 : i32
    return %c0_i32 : i32
  }
}

</mosaic_0001>

<sc_bundles>
// kernel: kernel.4.cloned.1.call-start
scs
__scs_entry_jumppad:
0x0: {  	(pc) =	sbr.rel $0x88, $3  }
0x1: {  	(tag) =	ssettag $0x0;
	lr =	simm.s32 $0x1  }
0x2: {  	[smem:$0x3F9B] =	sst lr;
	_ =	strace $0xD0000000  }
0x3: {  	_ = 	snop  }
0x4: {  	_ = 	snop  }
0x5: {  	_ = 	snop  }
0x6: {  	_ = 	snop  }
0x7: {  	_ = 	snop  }
__scs_overlays_trampoline_lowered:
0x8: {  	[smem:$0x3FAA] =	sst s0  }
0x9: {  	[smem:$0x3FAB] =	sst s1  }
0xa: {  	[smem:$0x3FAC] =	sst s2  }
0xb: {  	[smem:$0x3FAD] =	sst s3  }
0xc: {  	[smem:$0x3FAE] =	sst s4  }
0xd: {  	[smem:$0x3FAF] =	sst s5  }
0xe: {  	[smem:$0x3FB0] =	sst s6  }
0xf: {  	[smem:$0x3FB1] =	sst s7  }
0x10: {  	[smem:$0x3FB2] =	sst s8  }
0x11: {  	[smem:$0x3FB3] =	sst s9;
	s0 =	simm.s32 @!p0 $0x0  }
0x12: {  	s1 =	sld [smem:$0x3F99];
	s0 =	simm.s32 @p0 $0x1  }
0x13: {  	[smem:$0x3FB4] =	sst s0;
	s0 =	simm.s32 @!p1 $0x0  }
0x14: {  	s2 =	sld [smem:$0x3F98];
	s0 =	simm.s32 @p1 $0x1  }
0x15: {  	[smem:$0x3FB5] =	sst s0;
	s0 =	simm.s32 @!p2 $0x0  }
0x16: {  	s3 =	sld [smem:$0x3FDB];
	s0 =	simm.s32 @p2 $0x1  }
0x17: {  	s4 =	simm.s32 $0x1BF5;
	[smem:$0x3FB7] =	sst s0  }
0x18: {  	s0 =	sld [smem:$0x3F9A];
	_ =	swait.ge [sflag:s4], $0x0  }
0x19: {  	s7 =	sld [smem:$0x3F9B]  }
0x1a: {  	s8 =	sadd.s32 $0xFFFFE003, lr  }
0x1b: {  	s9 =	sadd.s32 $0xFFFFFEF7, lr;
	s5 =	simm.s32 $0xFFFFFFFF;
	p2 =	slt.u32 s8, $0xFFFFF086  }
0x1c: {  	p1 =	slt.u32 s9, $0xF7A;
	s5 =	simm.s32 @!p2 $0x0  }
0x1d: {  	s5 =	simm.s32 @p1 $0x1;
	p0 =	seq.s32 s7, s2  }
0x1e: {  	s7 =	smul.u32 @!p0 $0xF7A, s2;
	p2 =	seq.s32 @!p0 s5, $0x0  }
0x1f: {  	s9 =	smul.u32 $0xF7A, s1;
	s8 =	simm.s32 @!p0 $0x1BF5;
	p2 =	por !p2, p0  }
0x20: {  	[sflag:s8] =	ssyncset.s32 @!p0 $0xFFFFF086;
	s6 =	sadd.s32 @!p0 s3, s7;
	s7 =	simm.s32 @!p0 $0x108  }
0x21: {  	s3 =	sadd.s32 s3, s9;
	s6 =	sadd.s32 @!p0 $0x88, s6;
	s7 =	simm.s32 @p2 $0x1082  }
0x22: {  	[simem:s7], [sflag:s8] =	dma.local @!p0 [hbm:s6], $0xF7A  }
0x23: {  	s9 =	sor.u32 $0xD0000000, s2;
	s6 =	simm.s32 $0x108;
	_ =	swait.ge @!p0 [sflag:s8], $0x0  }
0x24: {  	s3 =	sadd.s32 $0x88, s3;
	s6 =	simm.s32 @!p1 $0x1082;
	[sflag:s4] =	ssyncset.s32 $0xFFFFF086  }
0x25: {  	[simem:s6], [sflag:s4] =	dma.local [hbm:s3], $0xF7A  }
0x26: {  	[smem:$0x3F9B] =	sst s1;
	(tag) =	ssettag s2;
	_ =	strace s9  }
0x27: {  	s1 =	sld [smem:$0x3FAB]  }
0x28: {  	s2 =	sld [smem:$0x3FAC]  }
0x29: {  	s4 =	sld [smem:$0x3FAE]  }
0x2a: {  	p0 =	seq.s32 s5, $0x0;
	s5 =	sld [smem:$0x3FAF]  }
0x2b: {  	s6 =	sld [smem:$0x3FB0]  }
0x2c: {  	s7 =	sld [smem:$0x3FB1]  }
0x2d: {  	s3 =	simm.s32 $0x108;
	s8 =	sld [smem:$0x3FB2]  }
0x2e: {  	s3 =	simm.s32 @!p0 $0x1082;
	s9 =	sld [smem:$0x3FB3]  }
0x2f: {  	lr =	sadd.s32 s0, s3;
	s0 =	sld [smem:$0x3FAA]  }
0x30: {  	s3 =	sld [smem:$0x3FAD]  }
0x31: {  	[smem:$0x3FB6] =	sst s10  }
0x32: {  	s10 =	sld [smem:$0x3FB4];
	_ =	sdelay $0x3  }
0x33: {  	p0 =	seq.s32 s10, $0x1;
	s10 =	sld [smem:$0x3FB6];
	_ =	sdelay $0x3  }
0x34: {  	[smem:$0x3FB6] =	sst s10  }
0x35: {  	s10 =	sld [smem:$0x3FB5];
	_ =	sdelay $0x3  }
0x36: {  	p1 =	seq.s32 s10, $0x1;
	s10 =	sld [smem:$0x3FB6];
	_ =	sdelay $0x3  }
0x37: {  	[smem:$0x3FB6] =	sst s10  }
0x38: {  	s10 =	sld [smem:$0x3FB7]  }
0x39: {  	_ = 	snop;
	(pc) =	sbr.ind lr, $3  }
0x3a: {  	_ = 	snop  }
0x3b: {  	_ = 	snop  }
0x3c: {  	p2 =	seq.s32 s10, $0x1;
	s10 =	sld [smem:$0x3FB6]  }
0x3d: {  	_ =	shalt  }
0x3e: {  	_ =	shalt  }
0x3f: {  	_ =	shalt  }
0x40: {  	_ =	shalt  }
0x41: {  	_ =	shalt  }
0x42: {  	_ =	shalt  }
0x43: {  	_ =	shalt  }
0x44: {  	_ =	shalt  }
0x45: {  	_ =	shalt  }
0x46: {  	_ =	shalt  }
0x47: {  	_ =	shalt  }
0x48: {  	_ =	shalt  }
0x49: {  	_ =	shalt  }
0x4a: {  	_ =	shalt  }
0x4b: {  	_ =	shalt  }
0x4c: {  	_ =	shalt  }
0x4d: {  	_ =	shalt  }
0x4e: {  	_ =	shalt  }
0x4f: {  	_ =	shalt  }
0x50: {  	_ =	shalt  }
0x51: {  	_ =	shalt  }
0x52: {  	_ =	shalt  }
0x53: {  	_ =	shalt  }
0x54: {  	_ =	shalt  }
0x55: {  	_ =	shalt  }
0x56: {  	_ =	shalt  }
0x57: {  	_ =	shalt  }
0x58: {  	_ =	shalt  }
0x59: {  	_ =	shalt  }
0x5a: {  	_ =	shalt  }
0x5b: {  	_ =	shalt  }
0x5c: {  	_ =	shalt  }
0x5d: {  	_ =	shalt  }
0x5e: {  	_ =	shalt  }
0x5f: {  	_ =	shalt  }
0x60: {  	_ =	shalt  }
0x61: {  	_ =	shalt  }
0x62: {  	_ =	shalt  }
0x63: {  	_ =	shalt  }
0x64: {  	_ =	shalt  }
0x65: {  	_ =	shalt  }
0x66: {  	_ =	shalt  }
0x67: {  	_ =	shalt  }
0x68: {  	_ =	shalt  }
0x69: {  	_ =	shalt  }
0x6a: {  	_ =	shalt  }
0x6b: {  	_ =	shalt  }
0x6c: {  	_ =	shalt  }
0x6d: {  	_ =	shalt  }
0x6e: {  	_ =	shalt  }
0x6f: {  	_ =	shalt  }
0x70: {  	_ =	shalt  }
0x71: {  	_ =	shalt  }
0x72: {  	_ =	shalt  }
0x73: {  	_ =	shalt  }
0x74: {  	_ =	shalt  }
0x75: {  	_ =	shalt  }
0x76: {  	_ =	shalt  }
0x77: {  	_ =	shalt  }
0x78: {  	_ =	shalt  }
0x79: {  	_ =	shalt  }
0x7a: {  	_ =	shalt  }
0x7b: {  	_ =	shalt  }
0x7c: {  	_ =	shalt  }
0x7d: {  	_ =	shalt  }
0x7e: {  	_ =	shalt  }
0x7f: {  	_ =	shalt  }
0x80: {  	_ =	shalt  }
0x81: {  	_ =	shalt  }
0x82: {  	_ =	shalt  }
0x83: {  	_ =	shalt  }
0x84: {  	_ =	shalt  }
0x85: {  	_ =	shalt  }
0x86: {  	_ =	shalt  }
0x87: {  	_ =	shalt  }
.Lfunc_end0:
.L_simem_size_0:
called_computation_lowered:
.L_overlay_start_0:
0x88: {  	s2 =	sld [smem:$0x3FD9]  }
0x89: {  	s3 =	sld [smem:$0x3FFE];
	_ =	sdelay $0x1  }
0x8a: {  	s1 =	srdreg.scid  }
0x8b: {  	s0 =	sand.u32 $0x1, s1  }
0x8c: {  	s14 =	sshll.u32 s0, $0xA;
	s2 =	sadd.s32 s3, s2  }
0x8d: {  	s2 =	sadd.s32 s2, s14  }
0x8e: {  	[smem:$0x3FC2] =	sst s2  }
0x8f: {  	_ = 	snop  }
0x90: {  	s2 =	sld [smem:$0x3FD0];
	_ =	sdelay $0x2  }
0x91: {  	s4 =	simm.s32 $0xA;
	s5 =	simm.s32 $0x10;
	s15 =	sld [smem:$0x3FC9]  }
0x92: {  	[smem:s5], [sflag:s4] =	dma.local [hbm:s2], $0x1  }
0x93: {  	_ =	swait.eq [sflag:s4], $0x1  }
0x94: {  	[sflag:s4] =	ssyncset.done $0x0  }
0x95: {  	[sflag:s4] =	ssyncadd.s32 $0xFFFFFFFF  }
0x96: {  	s16 =	sld [smem:$0x10];
	(tm) =	ssettm $0x1  }
0x97: {  	s17 =	sld [smem:$0x3FFB];
	_ =	sdelay $0x3  }
0x98: {  	_ =	strace s17  }
0x99: {  	s4 =	sld [smem:$0x3FFC];
	_ =	sdelay $0x3  }
0x9a: {  	_ =	strace s4  }
0x9b: {  	s4 =	sld [smem:$0x3FFD];
	_ =	sdelay $0x3  }
0x9c: {  	_ =	strace s4  }
0x9d: {  	_ =	strace $0x8FFFFFFF  }
0x9e: {  	s18 =	sld [smem:$0x3FDB];
	_ =	sdelay $0x1  }
0x9f: {  	s19 =	simm.s32 $_scs_section_size  }
0xa0: {  	s6 =	simm.s32 $_size__tile_overlayer_lowered;
	s7 =	simm.s32 $_tile_overlayer_lowered  }
0xa1: {  	s22 =	simm.s32 $0x1BFF;
	s21 =	sshll.u32 s7, $0x1;
	s4 =	sadd.s32 s19, s18  }
0xa2: {  	s8 =	simm.s32 $0x0;
	s20 =	sshll.u32 s6, $0x1;
	s6 =	sadd.s32 s21, s4  }
0xa3: {  	[timem:s8], [sflag:s22] =	dma.local [hbm:s6], s20  }
0xa4: {  	_ =	swait.ge [sflag:s22], s20  }
0xa5: {  	s5 =	ssub.s32 $0x0, s20;
	[sflag:s22] =	ssyncset.done $0x0  }
0xa6: {  	[sflag:s22] =	ssyncadd.s32 s5;
	_ =	sdelay $0x1  }
0xa7: {  	s23 =	simm.s32 $0x1B8B  }
0xa8: {  	_ =	swait.ge [sflag:s23], $0x1  }
0xa9: {  	[sflag:s23] =	ssyncset.done $0x0  }
0xaa: {  	s25 =	simm.s32 $0x1B8E;
	s24 =	sld [smem:$0x3FFE];
	[sflag:s23] =	ssyncadd.s32 $0xFFFFFFFF  }
0xab: {  	s26 =	simm.s32 $execute0_lowered;
	[smem:$0x3FD2] =	sst s25  }
0xac: {  	s6 =	sshll.u32 s26, $0x1;
	_ =	strace $0x80000046;
	[dreg:$0x1] =	wrdreg $0xFFFFFFFF  }
0xad: {  	s28 =	simm.s32 $_size_execute0_lowered;
	s4 =	sadd.s32 s4, s6;
	[dreg:$0x0] =	wrdreg $0x0  }
0xae: {  	s6 =	sshll.u32 s28, $0x1;
	[dreg:$0x2] =	wrdreg s4  }
0xaf: {  	[dreg:$0x3] =	wrdreg s6  }
0xb0: {  	[dreg:$0x4] =	wrdreg $0xC0  }
0xb1: {  	_ =	task [dreg:s8], $0x5FFFF  }
0xb2: {  	[dreg:$0x1] =	wrdreg $0xFFFFFFFF  }
0xb3: {  	[dreg:$0x0] =	wrdreg $0x60  }
0xb4: {  	[dreg:$0x2] =	wrdreg s15  }
0xb5: {  	[dreg:$0x3] =	wrdreg s24  }
0xb6: {  	[dreg:$0x4] =	wrdreg s16  }
0xb7: {  	[dreg:$0x5] =	wrdreg $0x84000  }
0xb8: {  	[dreg:$0x6] =	wrdreg $0x9  }
0xb9: {  	_ =	task.clear_ibuf [dreg:s8], $0x7FFFF;
	_ =	strace $0x90000046  }
0xba: {  	s29 =	simm.s32 $0x9;
	_ =	strace $0x80000048  }
0xbb: {  	_ =	swait.ge [sflag:s29], $0x1  }
0xbc: {  	[sflag:s29] =	ssyncadd.s32 $0xFFFFFFFF  }
0xbd: {  	_ =	strace $0x90000048  }
0xbe: {  	_ =	sfence  }
0xbf: {  	s30 =	sld [smem:$0x0];
	_ =	sdelay $0x2  }
0xc0: {  	s31 =	sshll.u32 s1, $0xD;
	s1 =	sshrl.u32 s1, $0x2  }
0xc1: {  	s3 =	sand.u32 $0x4000, s31;
	s1 =	sadd.s32 s1, s30  }
0xc2: {  	s0 =	sor.u32 s3, s0;
	s1 =	sshll.u32 s1, $0x11  }
0xc3: {  	s0 =	sor.u32 s1, s0  }
0xc4: {  	s0 =	sadd.s32 $0x8F2B, s0  }
0xc5: {  	[sflag:s0] =	ssyncadd.remote.s32 $0x1  }
0xc6: {  	_ =	sfence.sel $0xFFFF  }
0xc7: {  	[dreg:$0x0] =	wrdreg $0xFFFFFFFF;
	(pc) =	sbr.abs _section_cstart, $3  }
0xc8: {  	[dreg:$0x1] =	wrdreg $0xFFFFFFFF  }
0xc9: {  	_ =	task.clear_ibuf [dreg:s8], $0x2FFFF;
	_ =	strace $0x9FFFFFFF  }
0xca: {  	(tm) =	ssettm $0x7FFFFFFF  }
0xcb: {  	_ =	shalt  }
tec
execute0_lowered:
.L_overlay_start_1:
0x0: {  	(tag) =	ssettag $0x1  }
0x1: {  	s1 =	rddreg [dreg:$0x0]  }
0x2: {  	s0 =	rddreg [dreg:$0x1];
	s2 =	srdreg.scid  }
0x3: {  	s3 =	stileid.u32;
	s4 =	rddreg [dreg:$0x3]  }
0x4: {  	s5 =	simm.s32 $0x0;
	s18 =	simm.s32 $0x200;
	s19 =	simm.s32 $0x80  }
0x5: {  	s20 =	simm.s32 $0x280;
	s21 =	simm.s32 $0x4;
	s28 =	simm.s32 $0x2  }
0x6: {  	s29 =	simm.s32 $0x3;
	s30 =	simm.s32 $0x0;
	s12 =	smul.u32 $0x13C00, s3  }
0x7: {  	s2 =	sand.u32 $0x1, s2;
	[smem:$0x7FF] =	sst s5;
	s7 =	smul.u32 $0x4E2, s3  }
0x8: {  	s13 =	sshll.u32 s3, $0x6;
	s6 =	smul.u32 $0x13C000, s2;
	_ =	strace $0x80000047  }
0x9: {  	s8 =	ssub.s32 $0x0, s2;
	s2 =	ssub.s32 $0x2, s2;
	s13 =	sor.u32 $0x1C04, s13  }
0xa: {  	s15 =	sand.u32 $0x4E2, s8;
	s16 =	sshrl.u32 s7, $0x4;
	s7 =	sadd.s32 $0x4E2, s7  }
0xb: {  	s22 =	sshrl.u32 s2, $0x1;
	s6 =	sadd.s32 s12, s6;
	s8 =	sadd.s32 s16, s15  }
0xc: {  	s17 =	sshrl.u32 s7, $0x4;
	s2 =	ssub.s32 s2, s22;
	s12 =	sadd.s32 s12, s4  }
0xd: {  	s24 =	sshll.u32 s15, $0x7;
	s22 =	simm.s32 $0x1;
	s9 =	sshrl.u32 s6, $0x3  }
0xe: {  	s6 =	sadd.s32 $0xE00, s0;
	s8 =	sshll.u32 s8, $0x4;
	s23 =	ssub.s32 s16, s17  }
0xf: {  	s15 =	smax.u32 s2, $0x1;
	s0 =	sadd.s32 s9, s0;
	s7 =	sadd.s32 s6, s8  }
0x10: {  	s8 =	ssub.s32 s17, s16;
	s16 =	sshll.u32 s16, $0x7;
	[dreg:$0x6] =	wrdreg s23  }
.Ltmp0:
0x11: {  	s23 =	simm.s32 $0x400;
	s9 =	sadd.s32 $0x9C40, s7;
	(pc) =	sbr.rel .LBB2_1-.Ltmp0, $4  }
0x12: {  	s10 =	sadd.s32 $0x10, s7;
	s11 =	sadd.s32 $0x9C50, s7;
	s26 =	sadd.s32 $0x20, s7  }
0x13: {  	s14 =	sadd.s32 $0x14800, s0;
	s31 =	sadd.s32 $0x9C60, s7;
	[dreg:$0x7] =	wrdreg s26  }
0x14: {  	s25 =	sadd.s32 s16, s24;
	p0 =	slt.s32 s8, $0x1;
	[dreg:$0x8] =	wrdreg s31  }
0x15: {  	p1 =	slt.u32 s8, $0x3;
	p2 =	seq.s32 s8, $0x1;
	[dreg:$0x5] =	wrdreg s25  }
.LBB2_9:
0x16: {  	_ =	swait.ge [sflag:s29], $0x4000  }
0x17: {  	[sflag:s29] =	ssyncset.done $0x0  }
0x18: {  	[sflag:s29] =	ssyncadd.s32 $0xFFFFC000  }
0x19: {  	_ =	swait.ge [sflag:s29], $0x4000  }
0x1a: {  	s30 =	sadd.s32 $0x1, s30;
	[sflag:s29] =	ssyncset.done $0x0  }
0x1b: {  	p3 =	sne.s32 s30, s15;
	[sflag:s29] =	ssyncadd.s32 $0xFFFFC000  }
.Ltmp1:
0x1c: {  	[bflag:$0x0] =	sbarrier.arrive $0xFFFF;
	(pc) =	sbr.rel @!p3 .LBB2_10-.Ltmp1, $4  }
0x1d: {  	[hbm:s14], [sflag:s13] =	dma.local [spmem:s31], $0x2780  }
0x1e: {  	_ =	swait.ge [sflag:s21], $0x2780  }
0x1f: {  	[sflag:s21] =	ssyncset.done $0x0  }
0x20: {  	[sflag:s21] =	ssyncadd.s32 $0xFFFFD880  }
.LBB2_1:
0x21: {  	[tilespmem:s5], [sflag:$0x1] =	stream.linear.gather [hbm4b:s7+s5], $0x80, $0x38;
	[tilespmem:$0x1C000] =	vst v63  }
0x22: {  	_ = 	snop  }
0x23: {  	[tilespmem:s18], [sflag:$0x1] =	stream.linear.gather [hbm4b:s9+s5], $0x80, $0x38;
	[tilespmem:$0x1C000] =	vst v63  }
0x24: {  	_ = 	snop  }
0x25: {  	[tilespmem:s19], [sflag:$0x1] =	stream.linear.gather [hbm4b:s10+s5], $0x80, $0x38;
	[tilespmem:$0x1C000] =	vst v63  }
0x26: {  	s31 =	sshrl.u32 s12, $0x3;
	s0 =	rddreg [dreg:$0x2]  }
0x27: {  	[tilespmem:s20], [sflag:$0x1] =	stream.linear.gather [hbm4b:s11+s5], $0x80, $0x38;
	[tilespmem:$0x1C000] =	vst v63  }
0x28: {  	[spmem:s31], [sflag:s13] =	dma.local [hbm:s0], $0x2780  }
0x29: {  	_ =	swait.ge [sflag:s21], $0x2780  }
0x2a: {  	[sflag:s21] =	ssyncset.done $0x0  }
0x2b: {  	[sflag:s21] =	ssyncadd.s32 $0xFFFFD880  }
0x2c: {  	_ =	swait.ge [sflag:s22], $0x80  }
0x2d: {  	[sflag:s22] =	ssyncset.done $0x0  }
0x2e: {  	[sflag:s22] =	ssyncadd.s32 $0xFFFFFF80  }
0x2f: {  	_ =	swait.ge [sflag:s22], $0x80  }
.Ltmp2:
0x30: {  	[sflag:s22] =	ssyncset.done $0x0;
	(pc) =	sbr.rel @p0 .LBB2_9-.Ltmp2, $3  }
0x31: {  	[sflag:s22] =	ssyncadd.s32 $0xFFFFFF80  }
0x32: {  	[tilespmem:s23], [sflag:$0x2] =	stream.indirect.gather [hbm4b:s1+s19], $0x80, s5, s19, $0xb8;
	[tilespmem:$0x1C000] =	vst v63  }
0x33: {  	[bflag:$0x0] =	sbarrier.arrive $0xFFFF;
	_ =	sdelay $0x1  }
.Ltmp3:
0x34: {  	(pc) =	sbr.rel @p1 .LBB2_4-.Ltmp3, $1  }
0x35: {  	_ =	sdelay $0x3  }
.Ltmp4:
0x36: {  	(pc) =	sbr.rel .LBB2_5-.Ltmp4, $4  }
0x37: {  	s0 =	rddreg [dreg:$0x7];
	s2 =	simm.s32 $0x100  }
0x38: {  	[tilespmem:s2], [sflag:$0x1] =	stream.linear.gather [hbm4b:s0+s5], $0x80, $0x38;
	[tilespmem:$0x1C000] =	vst v63  }
0x39: {  	s25 =	rddreg [dreg:$0x8];
	s26 =	simm.s32 $0x300  }
0x3a: {  	[tilespmem:s26], [sflag:$0x1] =	stream.linear.gather [hbm4b:s25+s5], $0x80, $0x38;
	[tilespmem:$0x1C000] =	vst v63  }
.LBB2_4:
.Ltmp5:
0x3b: {  	(pc) =	sbr.rel @p2 .LBB2_6-.Ltmp5, $1  }
0x3c: {  	_ =	sdelay $0x3  }
.LBB2_5:
0x3d: {  	_ =	swait.ge [sflag:s22], $0x80  }
0x3e: {  	[sflag:s22] =	ssyncset.done $0x0  }
0x3f: {  	[sflag:s22] =	ssyncadd.s32 $0xFFFFFF80  }
0x40: {  	_ =	swait.ge [sflag:s22], $0x80  }
0x41: {  	[sflag:s22] =	ssyncset.done $0x0  }
0x42: {  	s0 =	simm.s32 $0x4400;
	[sflag:s22] =	ssyncadd.s32 $0xFFFFFF80  }
0x43: {  	[tilespmem:s0], [sflag:$0x2] =	stream.indirect.gather [hbm4b:s1+s19], $0x80, s19, s19, $0xb8;
	[tilespmem:$0x1C000] =	vst v63  }
.LBB2_6:
.Ltmp6:
0x44: {  	(pc) =	sbr.rel @p2 .LBB2_9-.Ltmp6, $4  }
0x45: {  	_ =	swait.ge [sflag:s28], $0x4000  }
0x46: {  	[sflag:s28] =	ssyncset.done $0x0  }
0x47: {  	s2 =	simm.s32 $0x400;
	[sflag:s28] =	ssyncadd.s32 $0xFFFFC000  }
0x48: {  	[spmem:s4] =	stream.indirect.scatter.add.f32 [tilespmem:s2], [sflag:$0x3], $0x80, s18, s19, $0xb8;
	[tilespmem:$0x1C000] =	vst v63  }
0x49: {  	s0 =	simm.s32 $0x20000;
	s24 =	simm.s32 $0x3;
	s25 =	simm.s32 $0x4E380  }
.LBB2_8:
0x4a: {  	s26 =	rddreg [dreg:$0x5];
	p3 =	sge.s32 s24, s8  }
0x4b: {  	s26 =	sadd.s32 @!p3 s25, s26  }
0x4c: {  	s16 =	sadd.s32 @!p3 $0xFFFB1E00, s26  }
0x4d: {  	s17 =	sadd.s32 @!p3 $0xFFFB1E00, s25;
	s16 =	sshrl.u32 @!p3 s16, $0x3  }
0x4e: {  	s3 =	simm.s32 @!p3 $0x0;
	s17 =	sand.u32 @!p3 $0x180, s17;
	s16 =	sadd.s32 @!p3 s6, s16  }
0x4f: {  	[tilespmem:s17], [sflag:$0x1] =	stream.linear.gather @!p3 [hbm4b:s16+s3], $0x80, $0x38;
	[tilespmem:$0x1C000] =	vst v63  }
0x50: {  	s16 =	sshrl.u32 @!p3 s26, $0x3  }
0x51: {  	s17 =	sor.u32 @!p3 $0x200, s17;
	s26 =	sadd.s32 $0xFFFFFFFF, s24;
	s16 =	sadd.s32 @!p3 s6, s16  }
0x52: {  	[tilespmem:s17], [sflag:$0x1] =	stream.linear.gather @!p3 [hbm4b:s16+s3], $0x80, $0x38;
	[tilespmem:$0x1C000] =	vst v63  }
0x53: {  	p3 =	sge.s32 s26, s8  }
0x54: {  	s3 =	simm.s32 @!p3 $0x1  }
0x55: {  	_ =	swait.ge @!p3 [sflag:s3], $0x80  }
0x56: {  	[sflag:s3] =	ssyncset.done @!p3 $0x0  }
0x57: {  	[sflag:s3] =	ssyncadd.s32 @!p3 $0xFFFFFF80  }
0x58: {  	_ =	swait.ge @!p3 [sflag:s3], $0x80  }
0x59: {  	[sflag:s3] =	ssyncset.done @!p3 $0x0  }
0x5a: {  	[sflag:s3] =	ssyncadd.s32 @!p3 $0xFFFFFF80;
	s3 =	simm.s32 @!p3 $0x3  }
0x5b: {  	s16 =	sand.u32 @!p3 $0x600, s2;
	s17 =	sand.u32 @!p3 $0x10000, s0;
	_ =	swait.ge @!p3 [sflag:s3], $0x4000  }
0x5c: {  	s16 =	sshrl.u32 @!p3 s16, $0x2;
	s17 =	sshrl.u32 @!p3 s17, $0x2;
	[sflag:s3] =	ssyncset.done @!p3 $0x0  }
0x5d: {  	[sflag:s3] =	ssyncadd.s32 @!p3 $0xFFFFC000;
	s3 =	sor.u32 @!p3 $0x400, s17;
	s17 =	simm.s32 @!p3 $0x80  }
0x5e: {  	[tilespmem:s3], [sflag:$0x2] =	stream.indirect.gather @!p3 [hbm4b:s1+s17], $0x80, s16, s17, $0xb8;
	[tilespmem:$0x1C000] =	vst v63  }
0x5f: {  	_ =	swait.ge [sflag:s28], $0x4000  }
0x60: {  	s24 =	sadd.s32 $0x1, s24;
	s26 =	rddreg [dreg:$0x6]  }
0x61: {  	s26 =	sadd.s32 s24, s26  }
0x62: {  	s25 =	sadd.s32 $0x80, s25;
	s16 =	sadd.s32 $0xFFFF0000, s0;
	p3 =	sne.s32 s26, $0x2  }
.Ltmp7:
0x63: {  	s17 =	sadd.s32 $0xFFFFFE00, s2;
	s2 =	sadd.s32 $0x200, s2;
	(pc) =	sbr.rel @p3 .LBB2_8-.Ltmp7, $4  }
0x64: {  	s0 =	sadd.s32 $0x10000, s0;
	s3 =	sand.u32 $0x10000, s16;
	s16 =	sand.u32 $0x600, s17  }
0x65: {  	s3 =	sshrl.u32 s3, $0x2;
	[sflag:s28] =	ssyncset.done $0x0;
	s16 =	sshrl.u32 s16, $0x2  }
0x66: {  	s3 =	sor.u32 $0x400, s3;
	[sflag:s28] =	ssyncadd.s32 $0xFFFFC000;
	s16 =	sor.u32 $0x200, s16  }
0x67: {  	[spmem:s4] =	stream.indirect.scatter.add.f32 [tilespmem:s3], [sflag:$0x3], $0x80, s16, s19, $0xb8;
	[tilespmem:$0x1C000] =	vst v63  }
.Ltmp8:
0x68: {  	_ = 	snop;
	(pc) =	sbr.rel .LBB2_9-.Ltmp8, $1  }
0x69: {  	_ =	sdelay $0x3  }
.LBB2_10:
0x6a: {  	_ =	sfence.sel $0x180000  }
0x6b: {  	[bflag:$0x0] =	sbarrier.arrive $0xFFFF  }
0x6c: {  	_ =	strace $0x90000047  }
0x6d: {  	s0 =	stileid.u32;
	[bflag:$0x2] =	sbarrier.arrive $0xFFFF  }
0x6e: {  	p0 =	sne.s32 s0, $0x0;
	s0 =	rddreg [dreg:$0x4]  }
0x6f: {  	s0 =	sadd.s32 @!p0 $0x100000, s0  }
0x70: {  	[sflag:s0] =	ssyncadd.tile.s32 @!p0 $0x1;
	_ =	shalt  }
.Lfunc_end2:
_tile_overlayer_lowered:
.L_overlay_start_2:
0x71: {  	(tag) =	ssettag $0x2  }
0x72: {  	s0 =	rddreg [dreg:$0x0];
	s2 =	stileid.u32  }
0x73: {  	s1 =	rddreg [dreg:$0x1];
	p0 =	sne.s32 s2, $0x0  }
0x74: {  	s3 =	rddreg [dreg:$0x2];
	[bflag:$0x3] =	sbarrier.arrive $0xFFFF;
	s2 =	simm.s32 @!p0 $0x1C04  }
0x75: {  	[timem:s3], [sflag:s2] =	dma.local @!p0 [hbm:s0], s1  }
0x76: {  	s0 =	simm.s32 @!p0 $0x4  }
0x77: {  	_ =	swait.ge @!p0 [sflag:s0], s1  }
0x78: {  	s1 =	ssub.s32 @!p0 $0x0, s1;
	[sflag:s0] =	ssyncset.done @!p0 $0x0  }
0x79: {  	[sflag:s0] =	ssyncadd.s32 @!p0 s1  }
0x7a: {  	[bflag:$0x3] =	sbarrier.arrive $0xFFFF  }
0x7b: {  	_ =	shalt  }

</sc_bundles>
